<compile_context>
chip_gen: v7x
topology: tpu7x:2x2x1
jax: 0.10.2.dev20260603
libtpu: 0.0.44.dev20260713+nightly
codegen_flags: <defaults>
</compile_context>

<pallas_src>
import functools

import jax
import jax.numpy as jnp
from jax.experimental import pallas as pl
from jax.experimental.pallas import tpu as pltpu
from jax.experimental.pallas import tpu_sc as plsc

C = 1024
K = 9
D = C * K
R = 512
STEPS = D // R
SIZE = 512

NSUB = 16
CPW = C // NSUB
SUNROLL = 4

_HI = jax.lax.Precision.HIGHEST


def _reduce_body(v1_ref, v2_ref, imp_ref, acc_ref, cs2_ref):
    i = pl.program_id(0)
    half = (i % 2) * R

    rows = jnp.sum(jnp.abs(v1_ref[...]), axis=1, keepdims=True)

    @pl.when(i < 2)
    def _():
        acc_ref[pl.ds(half, R), :] = rows

    @pl.when(i >= 2)
    def _():
        acc_ref[pl.ds(half, R), :] = acc_ref[pl.ds(half, R), :] + rows

    colpart = jnp.sum(jnp.abs(v2_ref[...]), axis=0, keepdims=True)

    @pl.when(i == 0)
    def _():
        cs2_ref[...] = colpart

    @pl.when(i > 0)
    def _():
        cs2_ref[...] = cs2_ref[...] + colpart

    @pl.when(i == STEPS - 1)
    def _():
        eye = (jax.lax.broadcasted_iota(jnp.int32, (C, C), 0)
               == jax.lax.broadcasted_iota(jnp.int32, (C, C), 1)
               ).astype(jnp.float32)
        imp1_row = jax.lax.dot_general(
            acc_ref[...], eye, (((0,), (0,)), ((), ())), precision=_HI)
        imp_ref[...] = imp1_row + cs2_ref[...]


def _sc_select_body(imp_hbm, out_hbm, imp_v, cnt_st, counts_v, posv, vals,
                    outv, outstage_sh, counts_sh, sem):
    wid = jax.lax.axis_index("s")
    base = wid * CPW

    pltpu.sync_copy(imp_hbm.at[0], imp_v.at[pl.ds(0, C)])
    pltpu.sync_copy(imp_hbm.at[0], imp_v.at[pl.ds(C, C)])

    tgts = tuple(imp_v[pl.ds(base + 16 * j, 16)] for j in range(4))
    cidx = tuple(jax.lax.iota(jnp.int32, 16) + (base + 16 * j)
                 for j in range(4))
    ranks = tuple(jnp.zeros((16,), jnp.int32) for _ in range(4))

    def obody(o, ranks):
        ranks = tuple(
            r + jnp.where(
                (imp_v[pl.ds(base + 16 * j + C - o, 16)] < t)
                | ((imp_v[pl.ds(base + 16 * j + C - o, 16)] == t)
                   & (ci >= o)),
                1, 0)
            for j, (r, t, ci) in enumerate(zip(ranks, tgts, cidx)))
        return ranks

    ranks = jax.lax.fori_loop(1, C, obody, ranks)

    masks = tuple(r < SIZE for r in ranks)
    mints = tuple(jnp.where(m, 1.0, 0.0) for m in masks)
    lane = jax.lax.iota(jnp.int32, 16)
    excls = []
    subcnts = []
    for m in mints:
        run = jnp.float32(0)
        excl = jnp.zeros((16,), jnp.float32)
        for u in range(16):
            excl = jnp.where(lane == u, run, excl)
            run = run + m[u]
        excls.append(excl)
        subcnts.append(run)
    cnt = subcnts[0] + subcnts[1] + subcnts[2] + subcnts[3]

    cnt_st[...] = jnp.zeros((16,), jnp.float32) + cnt
    pltpu.sync_copy(cnt_st, counts_sh.at[pl.ds(wid * 16, 16)])
    plsc.subcore_barrier()
    pltpu.sync_copy(counts_sh, counts_v)

    running = jnp.float32(0)
    for k in range(NSUB):
        ck = counts_v[pl.ds(16 * k, 16)][0]
        running = running + jnp.where(wid > k, ck, 0.0)

    dump = jnp.float32(SIZE) + wid.astype(jnp.float32)
    for j in range(4):
        excl = excls[j]
        pos = jnp.where(masks[j], excl + running, dump)
        running = running + subcnts[j]
        lin = (cidx[j].astype(jnp.float32) * (2.0 / float(C - 1)) - 1.0)
        posv[pl.ds(16 * j, 16)] = pos.astype(jnp.int32)
        vals[pl.ds(16 * j, 16)] = lin

    pltpu.sync_copy(vals, outstage_sh.at[posv])
    plsc.subcore_barrier()

    @pl.when(wid == 0)
    def _():
        pltpu.sync_copy(outstage_sh.at[pl.ds(0, SIZE)], outv)
        pltpu.sync_copy(outv, out_hbm)


_sc_select = functools.partial(
    pl.kernel,
    out_type=jax.ShapeDtypeStruct((SIZE,), jnp.float32),
    mesh=plsc.VectorSubcoreMesh(core_axis_name="c", subcore_axis_name="s",
                                num_cores=1),
    scratch_types=[
        pltpu.VMEM((2 * C,), jnp.float32),
        pltpu.VMEM((16,), jnp.float32),
        pltpu.VMEM((NSUB * 16,), jnp.float32),
        pltpu.VMEM((CPW,), jnp.int32),
        pltpu.VMEM((CPW,), jnp.float32),
        pltpu.VMEM((SIZE,), jnp.float32),
        pltpu.VMEM_SHARED((SIZE + NSUB,), jnp.float32),
        pltpu.VMEM_SHARED((NSUB * 16,), jnp.float32),
        pltpu.SemaphoreType.DMA,
    ],
)(_sc_select_body)


@jax.jit
def _run(w1, w2):
    v1 = jnp.transpose(w1, (2, 3, 0, 1)).reshape(D, C)
    v2 = jnp.transpose(w2, (2, 3, 0, 1)).reshape(D, C)

    imp = pl.pallas_call(
        _reduce_body,
        grid=(STEPS,),
        in_specs=[
            pl.BlockSpec((R, C), lambda i: (i, 0)),
            pl.BlockSpec((R, C), lambda i: (i, 0)),
        ],
        out_specs=pl.BlockSpec((1, C), lambda i: (0, 0)),
        out_shape=jax.ShapeDtypeStruct((1, C), jnp.float32),
        scratch_shapes=[
            pltpu.VMEM((C, 1), jnp.float32),
            pltpu.VMEM((1, C), jnp.float32),
        ],
        compiler_params=pltpu.CompilerParams(
            dimension_semantics=("arbitrary",),
        ),
    )(v1, v2)

    return _sc_select(imp)


def kernel(w1, w2, size):
    return _run(w1, w2) + size * 0

# --- scband reference (transcript-rebuilt; emitter-appended) ---
"""Pipeline reference for scband-l1-grid1-d-74895639708150 (READ-ONLY COPY).

The authoritative reference and input builder live on the scoring server;
editing this copy changes nothing except your own understanding.
"""

import jax, jax.numpy as jnp
import numpy as np


def setup_inputs(seed: int = 0) -> dict:
    key = jax.random.key(seed)
    k1, k2 = jax.random.split(key)
    w1 = jax.random.normal(k1, (1024, 1024, 3, 3), dtype=jnp.float32)
    w2 = jax.random.normal(k2, (1024, 1024, 3, 3), dtype=jnp.float32)
    return {"w1": w1, "w2": w2, "size": 512}


def reference(w1, w2, size):
    # group.size = number of channels C
    C = w1.shape[0]
    # param 1: conv weight with dim=0 -> transpose(0,0) is identity
    imp = jnp.mean(jnp.abs(w1.reshape(C, -1)), axis=1)
    # param 2: conv weight with dim=1 -> transpose(0,1) then reshape(C, -1)
    w2t = jnp.swapaxes(w2, 0, 1)
    imp = imp + jnp.mean(jnp.abs(w2t.reshape(C, -1)), axis=1)
    # argsort ascending, keep `size` least-important channel indices
    SIZE = 512
    idx = jnp.argsort(imp)[:SIZE]
    # index_select from linspace(-1, 1, C), then sort values
    grid = jnp.take(jnp.linspace(-1.0, 1.0, C, dtype=jnp.float32), idx, axis=0)
    return jnp.sort(grid) + size * 0

if __name__ == "__main__":
    import jax
    _d = setup_inputs()
    print(jax.jit(kernel)(*tuple(_d.values())))

</pallas_src>

<mosaic_0001>
#map = affine_map<(d0, d1) -> (0, 0)>
#map1 = affine_map<(d0, d1) -> (0)>
module attributes {stable_mosaic.version = 14 : i64} {
  func.func @_sc_select_body(%arg0: i32, %arg1: i32, %arg2: memref<1x1024xf32, #tpu.memory_space<hbm>>, %arg3: memref<512xf32, #tpu.memory_space<hbm>>, %arg4: memref<2048xf32, #tpu.memory_space<vmem>>, %arg5: memref<16xf32, #tpu.memory_space<vmem>>, %arg6: memref<256xf32, #tpu.memory_space<vmem>>, %arg7: memref<64xi32, #tpu.memory_space<vmem>>, %arg8: memref<64xf32, #tpu.memory_space<vmem>>, %arg9: memref<512xf32, #tpu.memory_space<vmem>>, %arg10: memref<528xf32, #tpu.memory_space<vmem_shared>>, %arg11: memref<256xf32, #tpu.memory_space<vmem_shared>>, %arg12: memref<!tpu.dma_semaphore, #tpu.memory_space<semaphore_mem>>) attributes {dimension_semantics = [#tpu.dimension_semantics<core_parallel>, #tpu.dimension_semantics<subcore_parallel>], iteration_bounds = array<i64: 1, 16>, scalar_prefetch = 0 : i64, scratch_operands = 9 : i64, tpu.core_type = #tpu.core_type<sc_vector_subcore>, window_params = [{transform_indices = #map}, {transform_indices = #map1}]} {
    %mul3A = arith.constant 64 : i32
    %mul3A_0 = arith.muli %arg1, %mul3A : i32
    %run_scoped3A = arith.constant 0 : i32
    "tpu.region"() ({
      %run_scoped3A_868 = tpu.sem_alloc : memref<!tpu.dma_semaphore, #tpu.memory_space<semaphore_mem>>
      %dma_start3A = arith.constant 0 : i32
      %dma_start3A_869 = tpu.memref_slice %arg4[%dma_start3A] : memref<2048xf32, #tpu.memory_space<vmem>> -> memref<1024xf32, #tpu.memory_space<vmem>>
      %dma_start3A_870 = arith.constant 0 : i32
      %dma_start3A_871 = tpu.memref_slice %arg2[%run_scoped3A, %dma_start3A_870] : memref<1x1024xf32, #tpu.memory_space<hbm>> -> memref<1x1024xf32, #tpu.memory_space<hbm>>
      %dma_start3A_872 = tpu.memref_squeeze %dma_start3A_871 : memref<1x1024xf32, #tpu.memory_space<hbm>> -> memref<1024xf32, #tpu.memory_space<hbm>>
      %dma_start3A_873 = arith.constant 0 : i32
      %dma_start3A_874 = tpu.memref_slice %arg4[%dma_start3A_873] : memref<2048xf32, #tpu.memory_space<vmem>> -> memref<1024xf32, #tpu.memory_space<vmem>>
      %dma_start3A_875 = arith.constant 0 : i32
      %dma_start3A_876 = tpu.memref_slice %arg2[%run_scoped3A, %dma_start3A_875] : memref<1x1024xf32, #tpu.memory_space<hbm>> -> memref<1x1024xf32, #tpu.memory_space<hbm>>
      %dma_start3A_877 = tpu.memref_squeeze %dma_start3A_876 : memref<1x1024xf32, #tpu.memory_space<hbm>> -> memref<1024xf32, #tpu.memory_space<hbm>>
      tpu.enqueue_dma source(%dma_start3A_877 : memref<1024xf32, #tpu.memory_space<hbm>>) target(%dma_start3A_874 : memref<1024xf32, #tpu.memory_space<vmem>>) target_semaphore(%run_scoped3A_868 : memref<!tpu.dma_semaphore, #tpu.memory_space<semaphore_mem>>)
      %dma_wait3A = arith.constant 0 : i32
      %dma_wait3A_878 = tpu.memref_slice %arg4[%dma_wait3A] : memref<2048xf32, #tpu.memory_space<vmem>> -> memref<1024xf32, #tpu.memory_space<vmem>>
      %dma_wait3A_879 = arith.constant 0 : i32
      %dma_wait3A_880 = tpu.memref_slice %arg2[%run_scoped3A, %dma_wait3A_879] : memref<1x1024xf32, #tpu.memory_space<hbm>> -> memref<1x1024xf32, #tpu.memory_space<hbm>>
      %dma_wait3A_881 = tpu.memref_squeeze %dma_wait3A_880 : memref<1x1024xf32, #tpu.memory_space<hbm>> -> memref<1024xf32, #tpu.memory_space<hbm>>
      %dma_wait3A_882 = arith.constant 0 : i32
      %dma_wait3A_883 = tpu.memref_slice %arg4[%dma_wait3A_882] : memref<2048xf32, #tpu.memory_space<vmem>> -> memref<1024xf32, #tpu.memory_space<vmem>>
      %dma_wait3A_884 = arith.constant 0 : i32
      %dma_wait3A_885 = tpu.memref_slice %arg2[%run_scoped3A, %dma_wait3A_884] : memref<1x1024xf32, #tpu.memory_space<hbm>> -> memref<1x1024xf32, #tpu.memory_space<hbm>>
      %dma_wait3A_886 = tpu.memref_squeeze %dma_wait3A_885 : memref<1x1024xf32, #tpu.memory_space<hbm>> -> memref<1024xf32, #tpu.memory_space<hbm>>
      tpu.wait_dma2 semaphore(%run_scoped3A_868 : memref<!tpu.dma_semaphore, #tpu.memory_space<semaphore_mem>>) src(%dma_wait3A_886 : memref<1024xf32, #tpu.memory_space<hbm>>) dst(%dma_wait3A_883 : memref<1024xf32, #tpu.memory_space<vmem>>)
      tpu.yield
    }) : () -> ()
    %run_scoped3A_1 = arith.constant 0 : i32
    "tpu.region"() ({
      %run_scoped3A_868 = tpu.sem_alloc : memref<!tpu.dma_semaphore, #tpu.memory_space<semaphore_mem>>
      %dma_start3A = arith.constant 1024 : i32
      %dma_start3A_869 = tpu.memref_slice %arg4[%dma_start3A] : memref<2048xf32, #tpu.memory_space<vmem>> -> memref<1024xf32, #tpu.memory_space<vmem>>
      %dma_start3A_870 = arith.constant 0 : i32
      %dma_start3A_871 = tpu.memref_slice %arg2[%run_scoped3A_1, %dma_start3A_870] : memref<1x1024xf32, #tpu.memory_space<hbm>> -> memref<1x1024xf32, #tpu.memory_space<hbm>>
      %dma_start3A_872 = tpu.memref_squeeze %dma_start3A_871 : memref<1x1024xf32, #tpu.memory_space<hbm>> -> memref<1024xf32, #tpu.memory_space<hbm>>
      %dma_start3A_873 = arith.constant 1024 : i32
      %dma_start3A_874 = tpu.memref_slice %arg4[%dma_start3A_873] : memref<2048xf32, #tpu.memory_space<vmem>> -> memref<1024xf32, #tpu.memory_space<vmem>>
      %dma_start3A_875 = arith.constant 0 : i32
      %dma_start3A_876 = tpu.memref_slice %arg2[%run_scoped3A_1, %dma_start3A_875] : memref<1x1024xf32, #tpu.memory_space<hbm>> -> memref<1x1024xf32, #tpu.memory_space<hbm>>
      %dma_start3A_877 = tpu.memref_squeeze %dma_start3A_876 : memref<1x1024xf32, #tpu.memory_space<hbm>> -> memref<1024xf32, #tpu.memory_space<hbm>>
      tpu.enqueue_dma source(%dma_start3A_877 : memref<1024xf32, #tpu.memory_space<hbm>>) target(%dma_start3A_874 : memref<1024xf32, #tpu.memory_space<vmem>>) target_semaphore(%run_scoped3A_868 : memref<!tpu.dma_semaphore, #tpu.memory_space<semaphore_mem>>)
      %dma_wait3A = arith.constant 1024 : i32
      %dma_wait3A_878 = tpu.memref_slice %arg4[%dma_wait3A] : memref<2048xf32, #tpu.memory_space<vmem>> -> memref<1024xf32, #tpu.memory_space<vmem>>
      %dma_wait3A_879 = arith.constant 0 : i32
      %dma_wait3A_880 = tpu.memref_slice %arg2[%run_scoped3A_1, %dma_wait3A_879] : memref<1x1024xf32, #tpu.memory_space<hbm>> -> memref<1x1024xf32, #tpu.memory_space<hbm>>
      %dma_wait3A_881 = tpu.memref_squeeze %dma_wait3A_880 : memref<1x1024xf32, #tpu.memory_space<hbm>> -> memref<1024xf32, #tpu.memory_space<hbm>>
      %dma_wait3A_882 = arith.constant 1024 : i32
      %dma_wait3A_883 = tpu.memref_slice %arg4[%dma_wait3A_882] : memref<2048xf32, #tpu.memory_space<vmem>> -> memref<1024xf32, #tpu.memory_space<vmem>>
      %dma_wait3A_884 = arith.constant 0 : i32
      %dma_wait3A_885 = tpu.memref_slice %arg2[%run_scoped3A_1, %dma_wait3A_884] : memref<1x1024xf32, #tpu.memory_space<hbm>> -> memref<1x1024xf32, #tpu.memory_space<hbm>>
      %dma_wait3A_886 = tpu.memref_squeeze %dma_wait3A_885 : memref<1x1024xf32, #tpu.memory_space<hbm>> -> memref<1024xf32, #tpu.memory_space<hbm>>
      tpu.wait_dma2 semaphore(%run_scoped3A_868 : memref<!tpu.dma_semaphore, #tpu.memory_space<semaphore_mem>>) src(%dma_wait3A_886 : memref<1024xf32, #tpu.memory_space<hbm>>) dst(%dma_wait3A_883 : memref<1024xf32, #tpu.memory_space<vmem>>)
      tpu.yield
    }) : () -> ()
    %add3A = arith.constant 0 : i32
    %add3A_2 = arith.addi %mul3A_0, %add3A : i32
    %get3A = arith.index_cast %add3A_2 : i32 to index
    %get3A_3 = tpu.vector_load %arg4[%get3A] {strides = array<i32>} : memref<2048xf32, #tpu.memory_space<vmem>>, vector<16xf32>,
    %get3A_4 = vector.shape_cast %get3A_3 : vector<16xf32> to vector<16xf32>
    %add3A_5 = arith.constant 16 : i32
    %add3A_6 = arith.addi %mul3A_0, %add3A_5 : i32
    %get3A_7 = arith.index_cast %add3A_6 : i32 to index
    %get3A_8 = tpu.vector_load %arg4[%get3A_7] {strides = array<i32>} : memref<2048xf32, #tpu.memory_space<vmem>>, vector<16xf32>,
    %get3A_9 = vector.shape_cast %get3A_8 : vector<16xf32> to vector<16xf32>
    %add3A_10 = arith.constant 32 : i32
    %add3A_11 = arith.addi %mul3A_0, %add3A_10 : i32
    %get3A_12 = arith.index_cast %add3A_11 : i32 to index
    %get3A_13 = tpu.vector_load %arg4[%get3A_12] {strides = array<i32>} : memref<2048xf32, #tpu.memory_space<vmem>>, vector<16xf32>,
    %get3A_14 = vector.shape_cast %get3A_13 : vector<16xf32> to vector<16xf32>
    %add3A_15 = arith.constant 48 : i32
    %add3A_16 = arith.addi %mul3A_0, %add3A_15 : i32
    %get3A_17 = arith.index_cast %add3A_16 : i32 to index
    %get3A_18 = tpu.vector_load %arg4[%get3A_17] {strides = array<i32>} : memref<2048xf32, #tpu.memory_space<vmem>>, vector<16xf32>,
    %get3A_19 = vector.shape_cast %get3A_18 : vector<16xf32> to vector<16xf32>
    %iota3A = tpu.iota {dimensions = array<i32: 0>} : vector<16xi32>
    %add3A_20 = arith.constant 0 : i32
    %add3A_21 = arith.addi %mul3A_0, %add3A_20 : i32
    %add3A_22 = vector.broadcast %add3A_21 : i32 to vector<16xi32>
    %add3A_23 = arith.addi %iota3A, %add3A_22 : vector<16xi32>
    %iota3A_24 = tpu.iota {dimensions = array<i32: 0>} : vector<16xi32>
    %add3A_25 = arith.constant 16 : i32
    %add3A_26 = arith.addi %mul3A_0, %add3A_25 : i32
    %add3A_27 = vector.broadcast %add3A_26 : i32 to vector<16xi32>
    %add3A_28 = arith.addi %iota3A_24, %add3A_27 : vector<16xi32>
    %iota3A_29 = tpu.iota {dimensions = array<i32: 0>} : vector<16xi32>
    %add3A_30 = arith.constant 32 : i32
    %add3A_31 = arith.addi %mul3A_0, %add3A_30 : i32
    %add3A_32 = vector.broadcast %add3A_31 : i32 to vector<16xi32>
    %add3A_33 = arith.addi %iota3A_29, %add3A_32 : vector<16xi32>
    %iota3A_34 = tpu.iota {dimensions = array<i32: 0>} : vector<16xi32>
    %add3A_35 = arith.constant 48 : i32
    %add3A_36 = arith.addi %mul3A_0, %add3A_35 : i32
    %add3A_37 = vector.broadcast %add3A_36 : i32 to vector<16xi32>
    %add3A_38 = arith.addi %iota3A_34, %add3A_37 : vector<16xi32>
    %broadcast_in_dim3A = arith.constant 0 : i32
    %broadcast_in_dim3A_39 = vector.broadcast %broadcast_in_dim3A : i32 to vector<16xi32>
    %broadcast_in_dim3A_40 = arith.constant 0 : i32
    %broadcast_in_dim3A_41 = vector.broadcast %broadcast_in_dim3A_40 : i32 to vector<16xi32>
    %broadcast_in_dim3A_42 = arith.constant 0 : i32
    %broadcast_in_dim3A_43 = vector.broadcast %broadcast_in_dim3A_42 : i32 to vector<16xi32>
    %broadcast_in_dim3A_44 = arith.constant 0 : i32
    %broadcast_in_dim3A_45 = vector.broadcast %broadcast_in_dim3A_44 : i32 to vector<16xi32>
    %scan3A = arith.constant 1 : i32
    %scan3A_46 = arith.constant 1023 : i32
    %scan3A_47 = arith.addi %scan3A, %scan3A_46 : i32
    %scan3A_48 = arith.constant 1 : i32
    %scan3A_49:4 = scf.for %scan3A_868 = %scan3A to %scan3A_47 step %scan3A_48 iter_args(%scan3A_869 = %broadcast_in_dim3A_39, %scan3A_870 = %broadcast_in_dim3A_41, %scan3A_871 = %broadcast_in_dim3A_43, %scan3A_872 = %broadcast_in_dim3A_45) -> (vector<16xi32>, vector<16xi32>, vector<16xi32>, vector<16xi32>)  : i32 {
      %add3A_873 = arith.constant 0 : i32
      %add3A_874 = arith.addi %mul3A_0, %add3A_873 : i32
      %add3A_875 = arith.constant 1024 : i32
      %add3A_876 = arith.addi %add3A_874, %add3A_875 : i32
      %sub3A_877 = arith.subi %add3A_876, %scan3A_868 : i32
      %get3A_878 = arith.index_cast %sub3A_877 : i32 to index
      %get3A_879 = tpu.vector_load %arg4[%get3A_878] {strides = array<i32>} : memref<2048xf32, #tpu.memory_space<vmem>>, vector<16xf32>,
      %get3A_880 = vector.shape_cast %get3A_879 : vector<16xf32> to vector<16xf32>
      %lt3A_881 = arith.cmpf olt, %get3A_880, %get3A_4 : vector<16xf32>
      %add3A_882 = arith.constant 0 : i32
      %add3A_883 = arith.addi %mul3A_0, %add3A_882 : i32
      %add3A_884 = arith.constant 1024 : i32
      %add3A_885 = arith.addi %add3A_883, %add3A_884 : i32
      %sub3A_886 = arith.subi %add3A_885, %scan3A_868 : i32
      %get3A_887 = arith.index_cast %sub3A_886 : i32 to index
      %get3A_888 = tpu.vector_load %arg4[%get3A_887] {strides = array<i32>} : memref<2048xf32, #tpu.memory_space<vmem>>, vector<16xf32>,
      %get3A_889 = vector.shape_cast %get3A_888 : vector<16xf32> to vector<16xf32>
      %eq3A_890 = arith.cmpf oeq, %get3A_889, %get3A_4 : vector<16xf32>
      %ge3A = vector.broadcast %scan3A_868 : i32 to vector<16xi32>
      %ge3A_891 = arith.cmpi sge, %add3A_23, %ge3A : vector<16xi32>
      %and3A = arith.andi %eq3A_890, %ge3A_891 : vector<16xi1>
      %or3A = arith.ori %lt3A_881, %and3A : vector<16xi1>
      %jit3A_892 = arith.constant 1 : i32
      %jit3A_893 = arith.constant 0 : i32
      %broadcast_in_dim3A_894 = vector.broadcast %jit3A_892 : i32 to vector<16xi32>
      %broadcast_in_dim3A_895 = vector.broadcast %jit3A_893 : i32 to vector<16xi32>
      %select_n3A_896 = arith.select %or3A, %broadcast_in_dim3A_894, %broadcast_in_dim3A_895 : vector<16xi1>, vector<16xi32>
      %add3A_897 = arith.addi %scan3A_869, %select_n3A_896 : vector<16xi32>
      %add3A_898 = arith.constant 16 : i32
      %add3A_899 = arith.addi %mul3A_0, %add3A_898 : i32
      %add3A_900 = arith.constant 1024 : i32
      %add3A_901 = arith.addi %add3A_899, %add3A_900 : i32
      %sub3A_902 = arith.subi %add3A_901, %scan3A_868 : i32
      %get3A_903 = arith.index_cast %sub3A_902 : i32 to index
      %get3A_904 = tpu.vector_load %arg4[%get3A_903] {strides = array<i32>} : memref<2048xf32, #tpu.memory_space<vmem>>, vector<16xf32>,
      %get3A_905 = vector.shape_cast %get3A_904 : vector<16xf32> to vector<16xf32>
      %lt3A_906 = arith.cmpf olt, %get3A_905, %get3A_9 : vector<16xf32>
      %add3A_907 = arith.constant 16 : i32
      %add3A_908 = arith.addi %mul3A_0, %add3A_907 : i32
      %add3A_909 = arith.constant 1024 : i32
      %add3A_910 = arith.addi %add3A_908, %add3A_909 : i32
      %sub3A_911 = arith.subi %add3A_910, %scan3A_868 : i32
      %get3A_912 = arith.index_cast %sub3A_911 : i32 to index
      %get3A_913 = tpu.vector_load %arg4[%get3A_912] {strides = array<i32>} : memref<2048xf32, #tpu.memory_space<vmem>>, vector<16xf32>,
      %get3A_914 = vector.shape_cast %get3A_913 : vector<16xf32> to vector<16xf32>
      %eq3A_915 = arith.cmpf oeq, %get3A_914, %get3A_9 : vector<16xf32>
      %ge3A_916 = vector.broadcast %scan3A_868 : i32 to vector<16xi32>
      %ge3A_917 = arith.cmpi sge, %add3A_28, %ge3A_916 : vector<16xi32>
      %and3A_918 = arith.andi %eq3A_915, %ge3A_917 : vector<16xi1>
      %or3A_919 = arith.ori %lt3A_906, %and3A_918 : vector<16xi1>
      %jit3A_920 = arith.constant 1 : i32
      %jit3A_921 = arith.constant 0 : i32
      %broadcast_in_dim3A_922 = vector.broadcast %jit3A_920 : i32 to vector<16xi32>
      %broadcast_in_dim3A_923 = vector.broadcast %jit3A_921 : i32 to vector<16xi32>
      %select_n3A_924 = arith.select %or3A_919, %broadcast_in_dim3A_922, %broadcast_in_dim3A_923 : vector<16xi1>, vector<16xi32>
      %add3A_925 = arith.addi %scan3A_870, %select_n3A_924 : vector<16xi32>
      %add3A_926 = arith.constant 32 : i32
      %add3A_927 = arith.addi %mul3A_0, %add3A_926 : i32
      %add3A_928 = arith.constant 1024 : i32
      %add3A_929 = arith.addi %add3A_927, %add3A_928 : i32
      %sub3A_930 = arith.subi %add3A_929, %scan3A_868 : i32
      %get3A_931 = arith.index_cast %sub3A_930 : i32 to index
      %get3A_932 = tpu.vector_load %arg4[%get3A_931] {strides = array<i32>} : memref<2048xf32, #tpu.memory_space<vmem>>, vector<16xf32>,
      %get3A_933 = vector.shape_cast %get3A_932 : vector<16xf32> to vector<16xf32>
      %lt3A_934 = arith.cmpf olt, %get3A_933, %get3A_14 : vector<16xf32>
      %add3A_935 = arith.constant 32 : i32
      %add3A_936 = arith.addi %mul3A_0, %add3A_935 : i32
      %add3A_937 = arith.constant 1024 : i32
      %add3A_938 = arith.addi %add3A_936, %add3A_937 : i32
      %sub3A_939 = arith.subi %add3A_938, %scan3A_868 : i32
      %get3A_940 = arith.index_cast %sub3A_939 : i32 to index
      %get3A_941 = tpu.vector_load %arg4[%get3A_940] {strides = array<i32>} : memref<2048xf32, #tpu.memory_space<vmem>>, vector<16xf32>,
      %get3A_942 = vector.shape_cast %get3A_941 : vector<16xf32> to vector<16xf32>
      %eq3A_943 = arith.cmpf oeq, %get3A_942, %get3A_14 : vector<16xf32>
      %ge3A_944 = vector.broadcast %scan3A_868 : i32 to vector<16xi32>
      %ge3A_945 = arith.cmpi sge, %add3A_33, %ge3A_944 : vector<16xi32>
      %and3A_946 = arith.andi %eq3A_943, %ge3A_945 : vector<16xi1>
      %or3A_947 = arith.ori %lt3A_934, %and3A_946 : vector<16xi1>
      %jit3A_948 = arith.constant 1 : i32
      %jit3A_949 = arith.constant 0 : i32
      %broadcast_in_dim3A_950 = vector.broadcast %jit3A_948 : i32 to vector<16xi32>
      %broadcast_in_dim3A_951 = vector.broadcast %jit3A_949 : i32 to vector<16xi32>
      %select_n3A_952 = arith.select %or3A_947, %broadcast_in_dim3A_950, %broadcast_in_dim3A_951 : vector<16xi1>, vector<16xi32>
      %add3A_953 = arith.addi %scan3A_871, %select_n3A_952 : vector<16xi32>
      %add3A_954 = arith.constant 48 : i32
      %add3A_955 = arith.addi %mul3A_0, %add3A_954 : i32
      %add3A_956 = arith.constant 1024 : i32
      %add3A_957 = arith.addi %add3A_955, %add3A_956 : i32
      %sub3A_958 = arith.subi %add3A_957, %scan3A_868 : i32
      %get3A_959 = arith.index_cast %sub3A_958 : i32 to index
      %get3A_960 = tpu.vector_load %arg4[%get3A_959] {strides = array<i32>} : memref<2048xf32, #tpu.memory_space<vmem>>, vector<16xf32>,
      %get3A_961 = vector.shape_cast %get3A_960 : vector<16xf32> to vector<16xf32>
      %lt3A_962 = arith.cmpf olt, %get3A_961, %get3A_19 : vector<16xf32>
      %add3A_963 = arith.constant 48 : i32
      %add3A_964 = arith.addi %mul3A_0, %add3A_963 : i32
      %add3A_965 = arith.constant 1024 : i32
      %add3A_966 = arith.addi %add3A_964, %add3A_965 : i32
      %sub3A_967 = arith.subi %add3A_966, %scan3A_868 : i32
      %get3A_968 = arith.index_cast %sub3A_967 : i32 to index
      %get3A_969 = tpu.vector_load %arg4[%get3A_968] {strides = array<i32>} : memref<2048xf32, #tpu.memory_space<vmem>>, vector<16xf32>,
      %get3A_970 = vector.shape_cast %get3A_969 : vector<16xf32> to vector<16xf32>
      %eq3A_971 = arith.cmpf oeq, %get3A_970, %get3A_19 : vector<16xf32>
      %ge3A_972 = vector.broadcast %scan3A_868 : i32 to vector<16xi32>
      %ge3A_973 = arith.cmpi sge, %add3A_38, %ge3A_972 : vector<16xi32>
      %and3A_974 = arith.andi %eq3A_971, %ge3A_973 : vector<16xi1>
      %or3A_975 = arith.ori %lt3A_962, %and3A_974 : vector<16xi1>
      %jit3A_976 = arith.constant 1 : i32
      %jit3A_977 = arith.constant 0 : i32
      %broadcast_in_dim3A_978 = vector.broadcast %jit3A_976 : i32 to vector<16xi32>
      %broadcast_in_dim3A_979 = vector.broadcast %jit3A_977 : i32 to vector<16xi32>
      %select_n3A_980 = arith.select %or3A_975, %broadcast_in_dim3A_978, %broadcast_in_dim3A_979 : vector<16xi1>, vector<16xi32>
      %add3A_981 = arith.addi %scan3A_872, %select_n3A_980 : vector<16xi32>
      scf.yield %add3A_897, %add3A_925, %add3A_953, %add3A_981 : vector<16xi32>, vector<16xi32>, vector<16xi32>, vector<16xi32>
    }
    %scan3A_50 = arith.constant 1023 : i32
    %lt3A = arith.constant 512 : i32
    %lt3A_51 = vector.broadcast %lt3A : i32 to vector<16xi32>
    %lt3A_52 = arith.cmpi slt, %scan3A_49#0, %lt3A_51 : vector<16xi32>
    %lt3A_53 = arith.constant 512 : i32
    %lt3A_54 = vector.broadcast %lt3A_53 : i32 to vector<16xi32>
    %lt3A_55 = arith.cmpi slt, %scan3A_49#1, %lt3A_54 : vector<16xi32>
    %lt3A_56 = arith.constant 512 : i32
    %lt3A_57 = vector.broadcast %lt3A_56 : i32 to vector<16xi32>
    %lt3A_58 = arith.cmpi slt, %scan3A_49#2, %lt3A_57 : vector<16xi32>
    %lt3A_59 = arith.constant 512 : i32
    %lt3A_60 = vector.broadcast %lt3A_59 : i32 to vector<16xi32>
    %lt3A_61 = arith.cmpi slt, %scan3A_49#3, %lt3A_60 : vector<16xi32>
    %jit3A = arith.constant 1.000000e+00 : f32
    %jit3A_62 = arith.constant 0.000000e+00 : f32
    %broadcast_in_dim3A_63 = vector.broadcast %jit3A : f32 to vector<16xf32>
    %broadcast_in_dim3A_64 = vector.broadcast %jit3A_62 : f32 to vector<16xf32>
    %select_n3A = arith.select %lt3A_52, %broadcast_in_dim3A_63, %broadcast_in_dim3A_64 : vector<16xi1>, vector<16xf32>
    %jit3A_65 = arith.constant 1.000000e+00 : f32
    %jit3A_66 = arith.constant 0.000000e+00 : f32
    %broadcast_in_dim3A_67 = vector.broadcast %jit3A_65 : f32 to vector<16xf32>
    %broadcast_in_dim3A_68 = vector.broadcast %jit3A_66 : f32 to vector<16xf32>
    %select_n3A_69 = arith.select %lt3A_55, %broadcast_in_dim3A_67, %broadcast_in_dim3A_68 : vector<16xi1>, vector<16xf32>
    %jit3A_70 = arith.constant 1.000000e+00 : f32
    %jit3A_71 = arith.constant 0.000000e+00 : f32
    %broadcast_in_dim3A_72 = vector.broadcast %jit3A_70 : f32 to vector<16xf32>
    %broadcast_in_dim3A_73 = vector.broadcast %jit3A_71 : f32 to vector<16xf32>
    %select_n3A_74 = arith.select %lt3A_58, %broadcast_in_dim3A_72, %broadcast_in_dim3A_73 : vector<16xi1>, vector<16xf32>
    %jit3A_75 = arith.constant 1.000000e+00 : f32
    %jit3A_76 = arith.constant 0.000000e+00 : f32
    %broadcast_in_dim3A_77 = vector.broadcast %jit3A_75 : f32 to vector<16xf32>
    %broadcast_in_dim3A_78 = vector.broadcast %jit3A_76 : f32 to vector<16xf32>
    %select_n3A_79 = arith.select %lt3A_61, %broadcast_in_dim3A_77, %broadcast_in_dim3A_78 : vector<16xi1>, vector<16xf32>
    %iota3A_80 = tpu.iota {dimensions = array<i32: 0>} : vector<16xi32>
    %broadcast_in_dim3A_81 = arith.constant 0.000000e+00 : f32
    %broadcast_in_dim3A_82 = vector.broadcast %broadcast_in_dim3A_81 : f32 to vector<16xf32>
    %eq3A = arith.constant 0 : i32
    %eq3A_83 = vector.broadcast %eq3A : i32 to vector<16xi32>
    %eq3A_84 = arith.cmpi eq, %iota3A_80, %eq3A_83 : vector<16xi32>
    %jit3A_85 = arith.constant 0.000000e+00 : f32
    %broadcast_in_dim3A_86 = vector.broadcast %jit3A_85 : f32 to vector<16xf32>
    %select_n3A_87 = arith.select %eq3A_84, %broadcast_in_dim3A_86, %broadcast_in_dim3A_82 : vector<16xi1>, vector<16xf32>
    %slice3A = vector.extract_strided_slice %select_n3A {offsets = [0], sizes = [1], strides = [1]} : vector<16xf32> to vector<1xf32>
    %squeeze3A = vector.extract %slice3A[0] : f32 from vector<1xf32>
    %add3A_88 = arith.constant 0.000000e+00 : f32
    %add3A_89 = arith.addf %add3A_88, %squeeze3A : f32
    %eq3A_90 = arith.constant 1 : i32
    %eq3A_91 = vector.broadcast %eq3A_90 : i32 to vector<16xi32>
    %eq3A_92 = arith.cmpi eq, %iota3A_80, %eq3A_91 : vector<16xi32>
    %broadcast_in_dim3A_93 = vector.broadcast %add3A_89 : f32 to vector<16xf32>
    %select_n3A_94 = arith.select %eq3A_92, %broadcast_in_dim3A_93, %select_n3A_87 : vector<16xi1>, vector<16xf32>
    %slice3A_95 = vector.extract_strided_slice %select_n3A {offsets = [1], sizes = [1], strides = [1]} : vector<16xf32> to vector<1xf32>
    %squeeze3A_96 = vector.extract %slice3A_95[0] : f32 from vector<1xf32>
    %add3A_97 = arith.addf %add3A_89, %squeeze3A_96 : f32
    %eq3A_98 = arith.constant 2 : i32
    %eq3A_99 = vector.broadcast %eq3A_98 : i32 to vector<16xi32>
    %eq3A_100 = arith.cmpi eq, %iota3A_80, %eq3A_99 : vector<16xi32>
    %broadcast_in_dim3A_101 = vector.broadcast %add3A_97 : f32 to vector<16xf32>
    %select_n3A_102 = arith.select %eq3A_100, %broadcast_in_dim3A_101, %select_n3A_94 : vector<16xi1>, vector<16xf32>
    %slice3A_103 = vector.extract_strided_slice %select_n3A {offsets = [2], sizes = [1], strides = [1]} : vector<16xf32> to vector<1xf32>
    %squeeze3A_104 = vector.extract %slice3A_103[0] : f32 from vector<1xf32>
    %add3A_105 = arith.addf %add3A_97, %squeeze3A_104 : f32
    %eq3A_106 = arith.constant 3 : i32
    %eq3A_107 = vector.broadcast %eq3A_106 : i32 to vector<16xi32>
    %eq3A_108 = arith.cmpi eq, %iota3A_80, %eq3A_107 : vector<16xi32>
    %broadcast_in_dim3A_109 = vector.broadcast %add3A_105 : f32 to vector<16xf32>
    %select_n3A_110 = arith.select %eq3A_108, %broadcast_in_dim3A_109, %select_n3A_102 : vector<16xi1>, vector<16xf32>
    %slice3A_111 = vector.extract_strided_slice %select_n3A {offsets = [3], sizes = [1], strides = [1]} : vector<16xf32> to vector<1xf32>
    %squeeze3A_112 = vector.extract %slice3A_111[0] : f32 from vector<1xf32>
    %add3A_113 = arith.addf %add3A_105, %squeeze3A_112 : f32
    %eq3A_114 = arith.constant 4 : i32
    %eq3A_115 = vector.broadcast %eq3A_114 : i32 to vector<16xi32>
    %eq3A_116 = arith.cmpi eq, %iota3A_80, %eq3A_115 : vector<16xi32>
    %broadcast_in_dim3A_117 = vector.broadcast %add3A_113 : f32 to vector<16xf32>
    %select_n3A_118 = arith.select %eq3A_116, %broadcast_in_dim3A_117, %select_n3A_110 : vector<16xi1>, vector<16xf32>
    %slice3A_119 = vector.extract_strided_slice %select_n3A {offsets = [4], sizes = [1], strides = [1]} : vector<16xf32> to vector<1xf32>
    %squeeze3A_120 = vector.extract %slice3A_119[0] : f32 from vector<1xf32>
    %add3A_121 = arith.addf %add3A_113, %squeeze3A_120 : f32
    %eq3A_122 = arith.constant 5 : i32
    %eq3A_123 = vector.broadcast %eq3A_122 : i32 to vector<16xi32>
    %eq3A_124 = arith.cmpi eq, %iota3A_80, %eq3A_123 : vector<16xi32>
    %broadcast_in_dim3A_125 = vector.broadcast %add3A_121 : f32 to vector<16xf32>
    %select_n3A_126 = arith.select %eq3A_124, %broadcast_in_dim3A_125, %select_n3A_118 : vector<16xi1>, vector<16xf32>
    %slice3A_127 = vector.extract_strided_slice %select_n3A {offsets = [5], sizes = [1], strides = [1]} : vector<16xf32> to vector<1xf32>
    %squeeze3A_128 = vector.extract %slice3A_127[0] : f32 from vector<1xf32>
    %add3A_129 = arith.addf %add3A_121, %squeeze3A_128 : f32
    %eq3A_130 = arith.constant 6 : i32
    %eq3A_131 = vector.broadcast %eq3A_130 : i32 to vector<16xi32>
    %eq3A_132 = arith.cmpi eq, %iota3A_80, %eq3A_131 : vector<16xi32>
    %broadcast_in_dim3A_133 = vector.broadcast %add3A_129 : f32 to vector<16xf32>
    %select_n3A_134 = arith.select %eq3A_132, %broadcast_in_dim3A_133, %select_n3A_126 : vector<16xi1>, vector<16xf32>
    %slice3A_135 = vector.extract_strided_slice %select_n3A {offsets = [6], sizes = [1], strides = [1]} : vector<16xf32> to vector<1xf32>
    %squeeze3A_136 = vector.extract %slice3A_135[0] : f32 from vector<1xf32>
    %add3A_137 = arith.addf %add3A_129, %squeeze3A_136 : f32
    %eq3A_138 = arith.constant 7 : i32
    %eq3A_139 = vector.broadcast %eq3A_138 : i32 to vector<16xi32>
    %eq3A_140 = arith.cmpi eq, %iota3A_80, %eq3A_139 : vector<16xi32>
    %broadcast_in_dim3A_141 = vector.broadcast %add3A_137 : f32 to vector<16xf32>
    %select_n3A_142 = arith.select %eq3A_140, %broadcast_in_dim3A_141, %select_n3A_134 : vector<16xi1>, vector<16xf32>
    %slice3A_143 = vector.extract_strided_slice %select_n3A {offsets = [7], sizes = [1], strides = [1]} : vector<16xf32> to vector<1xf32>
    %squeeze3A_144 = vector.extract %slice3A_143[0] : f32 from vector<1xf32>
    %add3A_145 = arith.addf %add3A_137, %squeeze3A_144 : f32
    %eq3A_146 = arith.constant 8 : i32
    %eq3A_147 = vector.broadcast %eq3A_146 : i32 to vector<16xi32>
    %eq3A_148 = arith.cmpi eq, %iota3A_80, %eq3A_147 : vector<16xi32>
    %broadcast_in_dim3A_149 = vector.broadcast %add3A_145 : f32 to vector<16xf32>
    %select_n3A_150 = arith.select %eq3A_148, %broadcast_in_dim3A_149, %select_n3A_142 : vector<16xi1>, vector<16xf32>
    %slice3A_151 = vector.extract_strided_slice %select_n3A {offsets = [8], sizes = [1], strides = [1]} : vector<16xf32> to vector<1xf32>
    %squeeze3A_152 = vector.extract %slice3A_151[0] : f32 from vector<1xf32>
    %add3A_153 = arith.addf %add3A_145, %squeeze3A_152 : f32
    %eq3A_154 = arith.constant 9 : i32
    %eq3A_155 = vector.broadcast %eq3A_154 : i32 to vector<16xi32>
    %eq3A_156 = arith.cmpi eq, %iota3A_80, %eq3A_155 : vector<16xi32>
    %broadcast_in_dim3A_157 = vector.broadcast %add3A_153 : f32 to vector<16xf32>
    %select_n3A_158 = arith.select %eq3A_156, %broadcast_in_dim3A_157, %select_n3A_150 : vector<16xi1>, vector<16xf32>
    %slice3A_159 = vector.extract_strided_slice %select_n3A {offsets = [9], sizes = [1], strides = [1]} : vector<16xf32> to vector<1xf32>
    %squeeze3A_160 = vector.extract %slice3A_159[0] : f32 from vector<1xf32>
    %add3A_161 = arith.addf %add3A_153, %squeeze3A_160 : f32
    %eq3A_162 = arith.constant 10 : i32
    %eq3A_163 = vector.broadcast %eq3A_162 : i32 to vector<16xi32>
    %eq3A_164 = arith.cmpi eq, %iota3A_80, %eq3A_163 : vector<16xi32>
    %broadcast_in_dim3A_165 = vector.broadcast %add3A_161 : f32 to vector<16xf32>
    %select_n3A_166 = arith.select %eq3A_164, %broadcast_in_dim3A_165, %select_n3A_158 : vector<16xi1>, vector<16xf32>
    %slice3A_167 = vector.extract_strided_slice %select_n3A {offsets = [10], sizes = [1], strides = [1]} : vector<16xf32> to vector<1xf32>
    %squeeze3A_168 = vector.extract %slice3A_167[0] : f32 from vector<1xf32>
    %add3A_169 = arith.addf %add3A_161, %squeeze3A_168 : f32
    %eq3A_170 = arith.constant 11 : i32
    %eq3A_171 = vector.broadcast %eq3A_170 : i32 to vector<16xi32>
    %eq3A_172 = arith.cmpi eq, %iota3A_80, %eq3A_171 : vector<16xi32>
    %broadcast_in_dim3A_173 = vector.broadcast %add3A_169 : f32 to vector<16xf32>
    %select_n3A_174 = arith.select %eq3A_172, %broadcast_in_dim3A_173, %select_n3A_166 : vector<16xi1>, vector<16xf32>
    %slice3A_175 = vector.extract_strided_slice %select_n3A {offsets = [11], sizes = [1], strides = [1]} : vector<16xf32> to vector<1xf32>
    %squeeze3A_176 = vector.extract %slice3A_175[0] : f32 from vector<1xf32>
    %add3A_177 = arith.addf %add3A_169, %squeeze3A_176 : f32
    %eq3A_178 = arith.constant 12 : i32
    %eq3A_179 = vector.broadcast %eq3A_178 : i32 to vector<16xi32>
    %eq3A_180 = arith.cmpi eq, %iota3A_80, %eq3A_179 : vector<16xi32>
    %broadcast_in_dim3A_181 = vector.broadcast %add3A_177 : f32 to vector<16xf32>
    %select_n3A_182 = arith.select %eq3A_180, %broadcast_in_dim3A_181, %select_n3A_174 : vector<16xi1>, vector<16xf32>
    %slice3A_183 = vector.extract_strided_slice %select_n3A {offsets = [12], sizes = [1], strides = [1]} : vector<16xf32> to vector<1xf32>
    %squeeze3A_184 = vector.extract %slice3A_183[0] : f32 from vector<1xf32>
    %add3A_185 = arith.addf %add3A_177, %squeeze3A_184 : f32
    %eq3A_186 = arith.constant 13 : i32
    %eq3A_187 = vector.broadcast %eq3A_186 : i32 to vector<16xi32>
    %eq3A_188 = arith.cmpi eq, %iota3A_80, %eq3A_187 : vector<16xi32>
    %broadcast_in_dim3A_189 = vector.broadcast %add3A_185 : f32 to vector<16xf32>
    %select_n3A_190 = arith.select %eq3A_188, %broadcast_in_dim3A_189, %select_n3A_182 : vector<16xi1>, vector<16xf32>
    %slice3A_191 = vector.extract_strided_slice %select_n3A {offsets = [13], sizes = [1], strides = [1]} : vector<16xf32> to vector<1xf32>
    %squeeze3A_192 = vector.extract %slice3A_191[0] : f32 from vector<1xf32>
    %add3A_193 = arith.addf %add3A_185, %squeeze3A_192 : f32
    %eq3A_194 = arith.constant 14 : i32
    %eq3A_195 = vector.broadcast %eq3A_194 : i32 to vector<16xi32>
    %eq3A_196 = arith.cmpi eq, %iota3A_80, %eq3A_195 : vector<16xi32>
    %broadcast_in_dim3A_197 = vector.broadcast %add3A_193 : f32 to vector<16xf32>
    %select_n3A_198 = arith.select %eq3A_196, %broadcast_in_dim3A_197, %select_n3A_190 : vector<16xi1>, vector<16xf32>
    %slice3A_199 = vector.extract_strided_slice %select_n3A {offsets = [14], sizes = [1], strides = [1]} : vector<16xf32> to vector<1xf32>
    %squeeze3A_200 = vector.extract %slice3A_199[0] : f32 from vector<1xf32>
    %add3A_201 = arith.addf %add3A_193, %squeeze3A_200 : f32
    %eq3A_202 = arith.constant 15 : i32
    %eq3A_203 = vector.broadcast %eq3A_202 : i32 to vector<16xi32>
    %eq3A_204 = arith.cmpi eq, %iota3A_80, %eq3A_203 : vector<16xi32>
    %broadcast_in_dim3A_205 = vector.broadcast %add3A_201 : f32 to vector<16xf32>
    %select_n3A_206 = arith.select %eq3A_204, %broadcast_in_dim3A_205, %select_n3A_198 : vector<16xi1>, vector<16xf32>
    %slice3A_207 = vector.extract_strided_slice %select_n3A {offsets = [15], sizes = [1], strides = [1]} : vector<16xf32> to vector<1xf32>
    %squeeze3A_208 = vector.extract %slice3A_207[0] : f32 from vector<1xf32>
    %add3A_209 = arith.addf %add3A_201, %squeeze3A_208 : f32
    %broadcast_in_dim3A_210 = arith.constant 0.000000e+00 : f32
    %broadcast_in_dim3A_211 = vector.broadcast %broadcast_in_dim3A_210 : f32 to vector<16xf32>
    %eq3A_212 = arith.constant 0 : i32
    %eq3A_213 = vector.broadcast %eq3A_212 : i32 to vector<16xi32>
    %eq3A_214 = arith.cmpi eq, %iota3A_80, %eq3A_213 : vector<16xi32>
    %jit3A_215 = arith.constant 0.000000e+00 : f32
    %broadcast_in_dim3A_216 = vector.broadcast %jit3A_215 : f32 to vector<16xf32>
    %select_n3A_217 = arith.select %eq3A_214, %broadcast_in_dim3A_216, %broadcast_in_dim3A_211 : vector<16xi1>, vector<16xf32>
    %slice3A_218 = vector.extract_strided_slice %select_n3A_69 {offsets = [0], sizes = [1], strides = [1]} : vector<16xf32> to vector<1xf32>
    %squeeze3A_219 = vector.extract %slice3A_218[0] : f32 from vector<1xf32>
    %add3A_220 = arith.constant 0.000000e+00 : f32
    %add3A_221 = arith.addf %add3A_220, %squeeze3A_219 : f32
    %eq3A_222 = arith.constant 1 : i32
    %eq3A_223 = vector.broadcast %eq3A_222 : i32 to vector<16xi32>
    %eq3A_224 = arith.cmpi eq, %iota3A_80, %eq3A_223 : vector<16xi32>
    %broadcast_in_dim3A_225 = vector.broadcast %add3A_221 : f32 to vector<16xf32>
    %select_n3A_226 = arith.select %eq3A_224, %broadcast_in_dim3A_225, %select_n3A_217 : vector<16xi1>, vector<16xf32>
    %slice3A_227 = vector.extract_strided_slice %select_n3A_69 {offsets = [1], sizes = [1], strides = [1]} : vector<16xf32> to vector<1xf32>
    %squeeze3A_228 = vector.extract %slice3A_227[0] : f32 from vector<1xf32>
    %add3A_229 = arith.addf %add3A_221, %squeeze3A_228 : f32
    %eq3A_230 = arith.constant 2 : i32
    %eq3A_231 = vector.broadcast %eq3A_230 : i32 to vector<16xi32>
    %eq3A_232 = arith.cmpi eq, %iota3A_80, %eq3A_231 : vector<16xi32>
    %broadcast_in_dim3A_233 = vector.broadcast %add3A_229 : f32 to vector<16xf32>
    %select_n3A_234 = arith.select %eq3A_232, %broadcast_in_dim3A_233, %select_n3A_226 : vector<16xi1>, vector<16xf32>
    %slice3A_235 = vector.extract_strided_slice %select_n3A_69 {offsets = [2], sizes = [1], strides = [1]} : vector<16xf32> to vector<1xf32>
    %squeeze3A_236 = vector.extract %slice3A_235[0] : f32 from vector<1xf32>
    %add3A_237 = arith.addf %add3A_229, %squeeze3A_236 : f32
    %eq3A_238 = arith.constant 3 : i32
    %eq3A_239 = vector.broadcast %eq3A_238 : i32 to vector<16xi32>
    %eq3A_240 = arith.cmpi eq, %iota3A_80, %eq3A_239 : vector<16xi32>
    %broadcast_in_dim3A_241 = vector.broadcast %add3A_237 : f32 to vector<16xf32>
    %select_n3A_242 = arith.select %eq3A_240, %broadcast_in_dim3A_241, %select_n3A_234 : vector<16xi1>, vector<16xf32>
    %slice3A_243 = vector.extract_strided_slice %select_n3A_69 {offsets = [3], sizes = [1], strides = [1]} : vector<16xf32> to vector<1xf32>
    %squeeze3A_244 = vector.extract %slice3A_243[0] : f32 from vector<1xf32>
    %add3A_245 = arith.addf %add3A_237, %squeeze3A_244 : f32
    %eq3A_246 = arith.constant 4 : i32
    %eq3A_247 = vector.broadcast %eq3A_246 : i32 to vector<16xi32>
    %eq3A_248 = arith.cmpi eq, %iota3A_80, %eq3A_247 : vector<16xi32>
    %broadcast_in_dim3A_249 = vector.broadcast %add3A_245 : f32 to vector<16xf32>
    %select_n3A_250 = arith.select %eq3A_248, %broadcast_in_dim3A_249, %select_n3A_242 : vector<16xi1>, vector<16xf32>
    %slice3A_251 = vector.extract_strided_slice %select_n3A_69 {offsets = [4], sizes = [1], strides = [1]} : vector<16xf32> to vector<1xf32>
    %squeeze3A_252 = vector.extract %slice3A_251[0] : f32 from vector<1xf32>
    %add3A_253 = arith.addf %add3A_245, %squeeze3A_252 : f32
    %eq3A_254 = arith.constant 5 : i32
    %eq3A_255 = vector.broadcast %eq3A_254 : i32 to vector<16xi32>
    %eq3A_256 = arith.cmpi eq, %iota3A_80, %eq3A_255 : vector<16xi32>
    %broadcast_in_dim3A_257 = vector.broadcast %add3A_253 : f32 to vector<16xf32>
    %select_n3A_258 = arith.select %eq3A_256, %broadcast_in_dim3A_257, %select_n3A_250 : vector<16xi1>, vector<16xf32>
    %slice3A_259 = vector.extract_strided_slice %select_n3A_69 {offsets = [5], sizes = [1], strides = [1]} : vector<16xf32> to vector<1xf32>
    %squeeze3A_260 = vector.extract %slice3A_259[0] : f32 from vector<1xf32>
    %add3A_261 = arith.addf %add3A_253, %squeeze3A_260 : f32
    %eq3A_262 = arith.constant 6 : i32
    %eq3A_263 = vector.broadcast %eq3A_262 : i32 to vector<16xi32>
    %eq3A_264 = arith.cmpi eq, %iota3A_80, %eq3A_263 : vector<16xi32>
    %broadcast_in_dim3A_265 = vector.broadcast %add3A_261 : f32 to vector<16xf32>
    %select_n3A_266 = arith.select %eq3A_264, %broadcast_in_dim3A_265, %select_n3A_258 : vector<16xi1>, vector<16xf32>
    %slice3A_267 = vector.extract_strided_slice %select_n3A_69 {offsets = [6], sizes = [1], strides = [1]} : vector<16xf32> to vector<1xf32>
    %squeeze3A_268 = vector.extract %slice3A_267[0] : f32 from vector<1xf32>
    %add3A_269 = arith.addf %add3A_261, %squeeze3A_268 : f32
    %eq3A_270 = arith.constant 7 : i32
    %eq3A_271 = vector.broadcast %eq3A_270 : i32 to vector<16xi32>
    %eq3A_272 = arith.cmpi eq, %iota3A_80, %eq3A_271 : vector<16xi32>
    %broadcast_in_dim3A_273 = vector.broadcast %add3A_269 : f32 to vector<16xf32>
    %select_n3A_274 = arith.select %eq3A_272, %broadcast_in_dim3A_273, %select_n3A_266 : vector<16xi1>, vector<16xf32>
    %slice3A_275 = vector.extract_strided_slice %select_n3A_69 {offsets = [7], sizes = [1], strides = [1]} : vector<16xf32> to vector<1xf32>
    %squeeze3A_276 = vector.extract %slice3A_275[0] : f32 from vector<1xf32>
    %add3A_277 = arith.addf %add3A_269, %squeeze3A_276 : f32
    %eq3A_278 = arith.constant 8 : i32
    %eq3A_279 = vector.broadcast %eq3A_278 : i32 to vector<16xi32>
    %eq3A_280 = arith.cmpi eq, %iota3A_80, %eq3A_279 : vector<16xi32>
    %broadcast_in_dim3A_281 = vector.broadcast %add3A_277 : f32 to vector<16xf32>
    %select_n3A_282 = arith.select %eq3A_280, %broadcast_in_dim3A_281, %select_n3A_274 : vector<16xi1>, vector<16xf32>
    %slice3A_283 = vector.extract_strided_slice %select_n3A_69 {offsets = [8], sizes = [1], strides = [1]} : vector<16xf32> to vector<1xf32>
    %squeeze3A_284 = vector.extract %slice3A_283[0] : f32 from vector<1xf32>
    %add3A_285 = arith.addf %add3A_277, %squeeze3A_284 : f32
    %eq3A_286 = arith.constant 9 : i32
    %eq3A_287 = vector.broadcast %eq3A_286 : i32 to vector<16xi32>
    %eq3A_288 = arith.cmpi eq, %iota3A_80, %eq3A_287 : vector<16xi32>
    %broadcast_in_dim3A_289 = vector.broadcast %add3A_285 : f32 to vector<16xf32>
    %select_n3A_290 = arith.select %eq3A_288, %broadcast_in_dim3A_289, %select_n3A_282 : vector<16xi1>, vector<16xf32>
    %slice3A_291 = vector.extract_strided_slice %select_n3A_69 {offsets = [9], sizes = [1], strides = [1]} : vector<16xf32> to vector<1xf32>
    %squeeze3A_292 = vector.extract %slice3A_291[0] : f32 from vector<1xf32>
    %add3A_293 = arith.addf %add3A_285, %squeeze3A_292 : f32
    %eq3A_294 = arith.constant 10 : i32
    %eq3A_295 = vector.broadcast %eq3A_294 : i32 to vector<16xi32>
    %eq3A_296 = arith.cmpi eq, %iota3A_80, %eq3A_295 : vector<16xi32>
    %broadcast_in_dim3A_297 = vector.broadcast %add3A_293 : f32 to vector<16xf32>
    %select_n3A_298 = arith.select %eq3A_296, %broadcast_in_dim3A_297, %select_n3A_290 : vector<16xi1>, vector<16xf32>
    %slice3A_299 = vector.extract_strided_slice %select_n3A_69 {offsets = [10], sizes = [1], strides = [1]} : vector<16xf32> to vector<1xf32>
    %squeeze3A_300 = vector.extract %slice3A_299[0] : f32 from vector<1xf32>
    %add3A_301 = arith.addf %add3A_293, %squeeze3A_300 : f32
    %eq3A_302 = arith.constant 11 : i32
    %eq3A_303 = vector.broadcast %eq3A_302 : i32 to vector<16xi32>
    %eq3A_304 = arith.cmpi eq, %iota3A_80, %eq3A_303 : vector<16xi32>
    %broadcast_in_dim3A_305 = vector.broadcast %add3A_301 : f32 to vector<16xf32>
    %select_n3A_306 = arith.select %eq3A_304, %broadcast_in_dim3A_305, %select_n3A_298 : vector<16xi1>, vector<16xf32>
    %slice3A_307 = vector.extract_strided_slice %select_n3A_69 {offsets = [11], sizes = [1], strides = [1]} : vector<16xf32> to vector<1xf32>
    %squeeze3A_308 = vector.extract %slice3A_307[0] : f32 from vector<1xf32>
    %add3A_309 = arith.addf %add3A_301, %squeeze3A_308 : f32
    %eq3A_310 = arith.constant 12 : i32
    %eq3A_311 = vector.broadcast %eq3A_310 : i32 to vector<16xi32>
    %eq3A_312 = arith.cmpi eq, %iota3A_80, %eq3A_311 : vector<16xi32>
    %broadcast_in_dim3A_313 = vector.broadcast %add3A_309 : f32 to vector<16xf32>
    %select_n3A_314 = arith.select %eq3A_312, %broadcast_in_dim3A_313, %select_n3A_306 : vector<16xi1>, vector<16xf32>
    %slice3A_315 = vector.extract_strided_slice %select_n3A_69 {offsets = [12], sizes = [1], strides = [1]} : vector<16xf32> to vector<1xf32>
    %squeeze3A_316 = vector.extract %slice3A_315[0] : f32 from vector<1xf32>
    %add3A_317 = arith.addf %add3A_309, %squeeze3A_316 : f32
    %eq3A_318 = arith.constant 13 : i32
    %eq3A_319 = vector.broadcast %eq3A_318 : i32 to vector<16xi32>
    %eq3A_320 = arith.cmpi eq, %iota3A_80, %eq3A_319 : vector<16xi32>
    %broadcast_in_dim3A_321 = vector.broadcast %add3A_317 : f32 to vector<16xf32>
    %select_n3A_322 = arith.select %eq3A_320, %broadcast_in_dim3A_321, %select_n3A_314 : vector<16xi1>, vector<16xf32>
    %slice3A_323 = vector.extract_strided_slice %select_n3A_69 {offsets = [13], sizes = [1], strides = [1]} : vector<16xf32> to vector<1xf32>
    %squeeze3A_324 = vector.extract %slice3A_323[0] : f32 from vector<1xf32>
    %add3A_325 = arith.addf %add3A_317, %squeeze3A_324 : f32
    %eq3A_326 = arith.constant 14 : i32
    %eq3A_327 = vector.broadcast %eq3A_326 : i32 to vector<16xi32>
    %eq3A_328 = arith.cmpi eq, %iota3A_80, %eq3A_327 : vector<16xi32>
    %broadcast_in_dim3A_329 = vector.broadcast %add3A_325 : f32 to vector<16xf32>
    %select_n3A_330 = arith.select %eq3A_328, %broadcast_in_dim3A_329, %select_n3A_322 : vector<16xi1>, vector<16xf32>
    %slice3A_331 = vector.extract_strided_slice %select_n3A_69 {offsets = [14], sizes = [1], strides = [1]} : vector<16xf32> to vector<1xf32>
    %squeeze3A_332 = vector.extract %slice3A_331[0] : f32 from vector<1xf32>
    %add3A_333 = arith.addf %add3A_325, %squeeze3A_332 : f32
    %eq3A_334 = arith.constant 15 : i32
    %eq3A_335 = vector.broadcast %eq3A_334 : i32 to vector<16xi32>
    %eq3A_336 = arith.cmpi eq, %iota3A_80, %eq3A_335 : vector<16xi32>
    %broadcast_in_dim3A_337 = vector.broadcast %add3A_333 : f32 to vector<16xf32>
    %select_n3A_338 = arith.select %eq3A_336, %broadcast_in_dim3A_337, %select_n3A_330 : vector<16xi1>, vector<16xf32>
    %slice3A_339 = vector.extract_strided_slice %select_n3A_69 {offsets = [15], sizes = [1], strides = [1]} : vector<16xf32> to vector<1xf32>
    %squeeze3A_340 = vector.extract %slice3A_339[0] : f32 from vector<1xf32>
    %add3A_341 = arith.addf %add3A_333, %squeeze3A_340 : f32
    %broadcast_in_dim3A_342 = arith.constant 0.000000e+00 : f32
    %broadcast_in_dim3A_343 = vector.broadcast %broadcast_in_dim3A_342 : f32 to vector<16xf32>
    %eq3A_344 = arith.constant 0 : i32
    %eq3A_345 = vector.broadcast %eq3A_344 : i32 to vector<16xi32>
    %eq3A_346 = arith.cmpi eq, %iota3A_80, %eq3A_345 : vector<16xi32>
    %jit3A_347 = arith.constant 0.000000e+00 : f32
    %broadcast_in_dim3A_348 = vector.broadcast %jit3A_347 : f32 to vector<16xf32>
    %select_n3A_349 = arith.select %eq3A_346, %broadcast_in_dim3A_348, %broadcast_in_dim3A_343 : vector<16xi1>, vector<16xf32>
    %slice3A_350 = vector.extract_strided_slice %select_n3A_74 {offsets = [0], sizes = [1], strides = [1]} : vector<16xf32> to vector<1xf32>
    %squeeze3A_351 = vector.extract %slice3A_350[0] : f32 from vector<1xf32>
    %add3A_352 = arith.constant 0.000000e+00 : f32
    %add3A_353 = arith.addf %add3A_352, %squeeze3A_351 : f32
    %eq3A_354 = arith.constant 1 : i32
    %eq3A_355 = vector.broadcast %eq3A_354 : i32 to vector<16xi32>
    %eq3A_356 = arith.cmpi eq, %iota3A_80, %eq3A_355 : vector<16xi32>
    %broadcast_in_dim3A_357 = vector.broadcast %add3A_353 : f32 to vector<16xf32>
    %select_n3A_358 = arith.select %eq3A_356, %broadcast_in_dim3A_357, %select_n3A_349 : vector<16xi1>, vector<16xf32>
    %slice3A_359 = vector.extract_strided_slice %select_n3A_74 {offsets = [1], sizes = [1], strides = [1]} : vector<16xf32> to vector<1xf32>
    %squeeze3A_360 = vector.extract %slice3A_359[0] : f32 from vector<1xf32>
    %add3A_361 = arith.addf %add3A_353, %squeeze3A_360 : f32
    %eq3A_362 = arith.constant 2 : i32
    %eq3A_363 = vector.broadcast %eq3A_362 : i32 to vector<16xi32>
    %eq3A_364 = arith.cmpi eq, %iota3A_80, %eq3A_363 : vector<16xi32>
    %broadcast_in_dim3A_365 = vector.broadcast %add3A_361 : f32 to vector<16xf32>
    %select_n3A_366 = arith.select %eq3A_364, %broadcast_in_dim3A_365, %select_n3A_358 : vector<16xi1>, vector<16xf32>
    %slice3A_367 = vector.extract_strided_slice %select_n3A_74 {offsets = [2], sizes = [1], strides = [1]} : vector<16xf32> to vector<1xf32>
    %squeeze3A_368 = vector.extract %slice3A_367[0] : f32 from vector<1xf32>
    %add3A_369 = arith.addf %add3A_361, %squeeze3A_368 : f32
    %eq3A_370 = arith.constant 3 : i32
    %eq3A_371 = vector.broadcast %eq3A_370 : i32 to vector<16xi32>
    %eq3A_372 = arith.cmpi eq, %iota3A_80, %eq3A_371 : vector<16xi32>
    %broadcast_in_dim3A_373 = vector.broadcast %add3A_369 : f32 to vector<16xf32>
    %select_n3A_374 = arith.select %eq3A_372, %broadcast_in_dim3A_373, %select_n3A_366 : vector<16xi1>, vector<16xf32>
    %slice3A_375 = vector.extract_strided_slice %select_n3A_74 {offsets = [3], sizes = [1], strides = [1]} : vector<16xf32> to vector<1xf32>
    %squeeze3A_376 = vector.extract %slice3A_375[0] : f32 from vector<1xf32>
    %add3A_377 = arith.addf %add3A_369, %squeeze3A_376 : f32
    %eq3A_378 = arith.constant 4 : i32
    %eq3A_379 = vector.broadcast %eq3A_378 : i32 to vector<16xi32>
    %eq3A_380 = arith.cmpi eq, %iota3A_80, %eq3A_379 : vector<16xi32>
    %broadcast_in_dim3A_381 = vector.broadcast %add3A_377 : f32 to vector<16xf32>
    %select_n3A_382 = arith.select %eq3A_380, %broadcast_in_dim3A_381, %select_n3A_374 : vector<16xi1>, vector<16xf32>
    %slice3A_383 = vector.extract_strided_slice %select_n3A_74 {offsets = [4], sizes = [1], strides = [1]} : vector<16xf32> to vector<1xf32>
    %squeeze3A_384 = vector.extract %slice3A_383[0] : f32 from vector<1xf32>
    %add3A_385 = arith.addf %add3A_377, %squeeze3A_384 : f32
    %eq3A_386 = arith.constant 5 : i32
    %eq3A_387 = vector.broadcast %eq3A_386 : i32 to vector<16xi32>
    %eq3A_388 = arith.cmpi eq, %iota3A_80, %eq3A_387 : vector<16xi32>
    %broadcast_in_dim3A_389 = vector.broadcast %add3A_385 : f32 to vector<16xf32>
    %select_n3A_390 = arith.select %eq3A_388, %broadcast_in_dim3A_389, %select_n3A_382 : vector<16xi1>, vector<16xf32>
    %slice3A_391 = vector.extract_strided_slice %select_n3A_74 {offsets = [5], sizes = [1], strides = [1]} : vector<16xf32> to vector<1xf32>
    %squeeze3A_392 = vector.extract %slice3A_391[0] : f32 from vector<1xf32>
    %add3A_393 = arith.addf %add3A_385, %squeeze3A_392 : f32
    %eq3A_394 = arith.constant 6 : i32
    %eq3A_395 = vector.broadcast %eq3A_394 : i32 to vector<16xi32>
    %eq3A_396 = arith.cmpi eq, %iota3A_80, %eq3A_395 : vector<16xi32>
    %broadcast_in_dim3A_397 = vector.broadcast %add3A_393 : f32 to vector<16xf32>
    %select_n3A_398 = arith.select %eq3A_396, %broadcast_in_dim3A_397, %select_n3A_390 : vector<16xi1>, vector<16xf32>
    %slice3A_399 = vector.extract_strided_slice %select_n3A_74 {offsets = [6], sizes = [1], strides = [1]} : vector<16xf32> to vector<1xf32>
    %squeeze3A_400 = vector.extract %slice3A_399[0] : f32 from vector<1xf32>
    %add3A_401 = arith.addf %add3A_393, %squeeze3A_400 : f32
    %eq3A_402 = arith.constant 7 : i32
    %eq3A_403 = vector.broadcast %eq3A_402 : i32 to vector<16xi32>
    %eq3A_404 = arith.cmpi eq, %iota3A_80, %eq3A_403 : vector<16xi32>
    %broadcast_in_dim3A_405 = vector.broadcast %add3A_401 : f32 to vector<16xf32>
    %select_n3A_406 = arith.select %eq3A_404, %broadcast_in_dim3A_405, %select_n3A_398 : vector<16xi1>, vector<16xf32>
    %slice3A_407 = vector.extract_strided_slice %select_n3A_74 {offsets = [7], sizes = [1], strides = [1]} : vector<16xf32> to vector<1xf32>
    %squeeze3A_408 = vector.extract %slice3A_407[0] : f32 from vector<1xf32>
    %add3A_409 = arith.addf %add3A_401, %squeeze3A_408 : f32
    %eq3A_410 = arith.constant 8 : i32
    %eq3A_411 = vector.broadcast %eq3A_410 : i32 to vector<16xi32>
    %eq3A_412 = arith.cmpi eq, %iota3A_80, %eq3A_411 : vector<16xi32>
    %broadcast_in_dim3A_413 = vector.broadcast %add3A_409 : f32 to vector<16xf32>
    %select_n3A_414 = arith.select %eq3A_412, %broadcast_in_dim3A_413, %select_n3A_406 : vector<16xi1>, vector<16xf32>
    %slice3A_415 = vector.extract_strided_slice %select_n3A_74 {offsets = [8], sizes = [1], strides = [1]} : vector<16xf32> to vector<1xf32>
    %squeeze3A_416 = vector.extract %slice3A_415[0] : f32 from vector<1xf32>
    %add3A_417 = arith.addf %add3A_409, %squeeze3A_416 : f32
    %eq3A_418 = arith.constant 9 : i32
    %eq3A_419 = vector.broadcast %eq3A_418 : i32 to vector<16xi32>
    %eq3A_420 = arith.cmpi eq, %iota3A_80, %eq3A_419 : vector<16xi32>
    %broadcast_in_dim3A_421 = vector.broadcast %add3A_417 : f32 to vector<16xf32>
    %select_n3A_422 = arith.select %eq3A_420, %broadcast_in_dim3A_421, %select_n3A_414 : vector<16xi1>, vector<16xf32>
    %slice3A_423 = vector.extract_strided_slice %select_n3A_74 {offsets = [9], sizes = [1], strides = [1]} : vector<16xf32> to vector<1xf32>
    %squeeze3A_424 = vector.extract %slice3A_423[0] : f32 from vector<1xf32>
    %add3A_425 = arith.addf %add3A_417, %squeeze3A_424 : f32
    %eq3A_426 = arith.constant 10 : i32
    %eq3A_427 = vector.broadcast %eq3A_426 : i32 to vector<16xi32>
    %eq3A_428 = arith.cmpi eq, %iota3A_80, %eq3A_427 : vector<16xi32>
    %broadcast_in_dim3A_429 = vector.broadcast %add3A_425 : f32 to vector<16xf32>
    %select_n3A_430 = arith.select %eq3A_428, %broadcast_in_dim3A_429, %select_n3A_422 : vector<16xi1>, vector<16xf32>
    %slice3A_431 = vector.extract_strided_slice %select_n3A_74 {offsets = [10], sizes = [1], strides = [1]} : vector<16xf32> to vector<1xf32>
    %squeeze3A_432 = vector.extract %slice3A_431[0] : f32 from vector<1xf32>
    %add3A_433 = arith.addf %add3A_425, %squeeze3A_432 : f32
    %eq3A_434 = arith.constant 11 : i32
    %eq3A_435 = vector.broadcast %eq3A_434 : i32 to vector<16xi32>
    %eq3A_436 = arith.cmpi eq, %iota3A_80, %eq3A_435 : vector<16xi32>
    %broadcast_in_dim3A_437 = vector.broadcast %add3A_433 : f32 to vector<16xf32>
    %select_n3A_438 = arith.select %eq3A_436, %broadcast_in_dim3A_437, %select_n3A_430 : vector<16xi1>, vector<16xf32>
    %slice3A_439 = vector.extract_strided_slice %select_n3A_74 {offsets = [11], sizes = [1], strides = [1]} : vector<16xf32> to vector<1xf32>
    %squeeze3A_440 = vector.extract %slice3A_439[0] : f32 from vector<1xf32>
    %add3A_441 = arith.addf %add3A_433, %squeeze3A_440 : f32
    %eq3A_442 = arith.constant 12 : i32
    %eq3A_443 = vector.broadcast %eq3A_442 : i32 to vector<16xi32>
    %eq3A_444 = arith.cmpi eq, %iota3A_80, %eq3A_443 : vector<16xi32>
    %broadcast_in_dim3A_445 = vector.broadcast %add3A_441 : f32 to vector<16xf32>
    %select_n3A_446 = arith.select %eq3A_444, %broadcast_in_dim3A_445, %select_n3A_438 : vector<16xi1>, vector<16xf32>
    %slice3A_447 = vector.extract_strided_slice %select_n3A_74 {offsets = [12], sizes = [1], strides = [1]} : vector<16xf32> to vector<1xf32>
    %squeeze3A_448 = vector.extract %slice3A_447[0] : f32 from vector<1xf32>
    %add3A_449 = arith.addf %add3A_441, %squeeze3A_448 : f32
    %eq3A_450 = arith.constant 13 : i32
    %eq3A_451 = vector.broadcast %eq3A_450 : i32 to vector<16xi32>
    %eq3A_452 = arith.cmpi eq, %iota3A_80, %eq3A_451 : vector<16xi32>
    %broadcast_in_dim3A_453 = vector.broadcast %add3A_449 : f32 to vector<16xf32>
    %select_n3A_454 = arith.select %eq3A_452, %broadcast_in_dim3A_453, %select_n3A_446 : vector<16xi1>, vector<16xf32>
    %slice3A_455 = vector.extract_strided_slice %select_n3A_74 {offsets = [13], sizes = [1], strides = [1]} : vector<16xf32> to vector<1xf32>
    %squeeze3A_456 = vector.extract %slice3A_455[0] : f32 from vector<1xf32>
    %add3A_457 = arith.addf %add3A_449, %squeeze3A_456 : f32
    %eq3A_458 = arith.constant 14 : i32
    %eq3A_459 = vector.broadcast %eq3A_458 : i32 to vector<16xi32>
    %eq3A_460 = arith.cmpi eq, %iota3A_80, %eq3A_459 : vector<16xi32>
    %broadcast_in_dim3A_461 = vector.broadcast %add3A_457 : f32 to vector<16xf32>
    %select_n3A_462 = arith.select %eq3A_460, %broadcast_in_dim3A_461, %select_n3A_454 : vector<16xi1>, vector<16xf32>
    %slice3A_463 = vector.extract_strided_slice %select_n3A_74 {offsets = [14], sizes = [1], strides = [1]} : vector<16xf32> to vector<1xf32>
    %squeeze3A_464 = vector.extract %slice3A_463[0] : f32 from vector<1xf32>
    %add3A_465 = arith.addf %add3A_457, %squeeze3A_464 : f32
    %eq3A_466 = arith.constant 15 : i32
    %eq3A_467 = vector.broadcast %eq3A_466 : i32 to vector<16xi32>
    %eq3A_468 = arith.cmpi eq, %iota3A_80, %eq3A_467 : vector<16xi32>
    %broadcast_in_dim3A_469 = vector.broadcast %add3A_465 : f32 to vector<16xf32>
    %select_n3A_470 = arith.select %eq3A_468, %broadcast_in_dim3A_469, %select_n3A_462 : vector<16xi1>, vector<16xf32>
    %slice3A_471 = vector.extract_strided_slice %select_n3A_74 {offsets = [15], sizes = [1], strides = [1]} : vector<16xf32> to vector<1xf32>
    %squeeze3A_472 = vector.extract %slice3A_471[0] : f32 from vector<1xf32>
    %add3A_473 = arith.addf %add3A_465, %squeeze3A_472 : f32
    %broadcast_in_dim3A_474 = arith.constant 0.000000e+00 : f32
    %broadcast_in_dim3A_475 = vector.broadcast %broadcast_in_dim3A_474 : f32 to vector<16xf32>
    %eq3A_476 = arith.constant 0 : i32
    %eq3A_477 = vector.broadcast %eq3A_476 : i32 to vector<16xi32>
    %eq3A_478 = arith.cmpi eq, %iota3A_80, %eq3A_477 : vector<16xi32>
    %jit3A_479 = arith.constant 0.000000e+00 : f32
    %broadcast_in_dim3A_480 = vector.broadcast %jit3A_479 : f32 to vector<16xf32>
    %select_n3A_481 = arith.select %eq3A_478, %broadcast_in_dim3A_480, %broadcast_in_dim3A_475 : vector<16xi1>, vector<16xf32>
    %slice3A_482 = vector.extract_strided_slice %select_n3A_79 {offsets = [0], sizes = [1], strides = [1]} : vector<16xf32> to vector<1xf32>
    %squeeze3A_483 = vector.extract %slice3A_482[0] : f32 from vector<1xf32>
    %add3A_484 = arith.constant 0.000000e+00 : f32
    %add3A_485 = arith.addf %add3A_484, %squeeze3A_483 : f32
    %eq3A_486 = arith.constant 1 : i32
    %eq3A_487 = vector.broadcast %eq3A_486 : i32 to vector<16xi32>
    %eq3A_488 = arith.cmpi eq, %iota3A_80, %eq3A_487 : vector<16xi32>
    %broadcast_in_dim3A_489 = vector.broadcast %add3A_485 : f32 to vector<16xf32>
    %select_n3A_490 = arith.select %eq3A_488, %broadcast_in_dim3A_489, %select_n3A_481 : vector<16xi1>, vector<16xf32>
    %slice3A_491 = vector.extract_strided_slice %select_n3A_79 {offsets = [1], sizes = [1], strides = [1]} : vector<16xf32> to vector<1xf32>
    %squeeze3A_492 = vector.extract %slice3A_491[0] : f32 from vector<1xf32>
    %add3A_493 = arith.addf %add3A_485, %squeeze3A_492 : f32
    %eq3A_494 = arith.constant 2 : i32
    %eq3A_495 = vector.broadcast %eq3A_494 : i32 to vector<16xi32>
    %eq3A_496 = arith.cmpi eq, %iota3A_80, %eq3A_495 : vector<16xi32>
    %broadcast_in_dim3A_497 = vector.broadcast %add3A_493 : f32 to vector<16xf32>
    %select_n3A_498 = arith.select %eq3A_496, %broadcast_in_dim3A_497, %select_n3A_490 : vector<16xi1>, vector<16xf32>
    %slice3A_499 = vector.extract_strided_slice %select_n3A_79 {offsets = [2], sizes = [1], strides = [1]} : vector<16xf32> to vector<1xf32>
    %squeeze3A_500 = vector.extract %slice3A_499[0] : f32 from vector<1xf32>
    %add3A_501 = arith.addf %add3A_493, %squeeze3A_500 : f32
    %eq3A_502 = arith.constant 3 : i32
    %eq3A_503 = vector.broadcast %eq3A_502 : i32 to vector<16xi32>
    %eq3A_504 = arith.cmpi eq, %iota3A_80, %eq3A_503 : vector<16xi32>
    %broadcast_in_dim3A_505 = vector.broadcast %add3A_501 : f32 to vector<16xf32>
    %select_n3A_506 = arith.select %eq3A_504, %broadcast_in_dim3A_505, %select_n3A_498 : vector<16xi1>, vector<16xf32>
    %slice3A_507 = vector.extract_strided_slice %select_n3A_79 {offsets = [3], sizes = [1], strides = [1]} : vector<16xf32> to vector<1xf32>
    %squeeze3A_508 = vector.extract %slice3A_507[0] : f32 from vector<1xf32>
    %add3A_509 = arith.addf %add3A_501, %squeeze3A_508 : f32
    %eq3A_510 = arith.constant 4 : i32
    %eq3A_511 = vector.broadcast %eq3A_510 : i32 to vector<16xi32>
    %eq3A_512 = arith.cmpi eq, %iota3A_80, %eq3A_511 : vector<16xi32>
    %broadcast_in_dim3A_513 = vector.broadcast %add3A_509 : f32 to vector<16xf32>
    %select_n3A_514 = arith.select %eq3A_512, %broadcast_in_dim3A_513, %select_n3A_506 : vector<16xi1>, vector<16xf32>
    %slice3A_515 = vector.extract_strided_slice %select_n3A_79 {offsets = [4], sizes = [1], strides = [1]} : vector<16xf32> to vector<1xf32>
    %squeeze3A_516 = vector.extract %slice3A_515[0] : f32 from vector<1xf32>
    %add3A_517 = arith.addf %add3A_509, %squeeze3A_516 : f32
    %eq3A_518 = arith.constant 5 : i32
    %eq3A_519 = vector.broadcast %eq3A_518 : i32 to vector<16xi32>
    %eq3A_520 = arith.cmpi eq, %iota3A_80, %eq3A_519 : vector<16xi32>
    %broadcast_in_dim3A_521 = vector.broadcast %add3A_517 : f32 to vector<16xf32>
    %select_n3A_522 = arith.select %eq3A_520, %broadcast_in_dim3A_521, %select_n3A_514 : vector<16xi1>, vector<16xf32>
    %slice3A_523 = vector.extract_strided_slice %select_n3A_79 {offsets = [5], sizes = [1], strides = [1]} : vector<16xf32> to vector<1xf32>
    %squeeze3A_524 = vector.extract %slice3A_523[0] : f32 from vector<1xf32>
    %add3A_525 = arith.addf %add3A_517, %squeeze3A_524 : f32
    %eq3A_526 = arith.constant 6 : i32
    %eq3A_527 = vector.broadcast %eq3A_526 : i32 to vector<16xi32>
    %eq3A_528 = arith.cmpi eq, %iota3A_80, %eq3A_527 : vector<16xi32>
    %broadcast_in_dim3A_529 = vector.broadcast %add3A_525 : f32 to vector<16xf32>
    %select_n3A_530 = arith.select %eq3A_528, %broadcast_in_dim3A_529, %select_n3A_522 : vector<16xi1>, vector<16xf32>
    %slice3A_531 = vector.extract_strided_slice %select_n3A_79 {offsets = [6], sizes = [1], strides = [1]} : vector<16xf32> to vector<1xf32>
    %squeeze3A_532 = vector.extract %slice3A_531[0] : f32 from vector<1xf32>
    %add3A_533 = arith.addf %add3A_525, %squeeze3A_532 : f32
    %eq3A_534 = arith.constant 7 : i32
    %eq3A_535 = vector.broadcast %eq3A_534 : i32 to vector<16xi32>
    %eq3A_536 = arith.cmpi eq, %iota3A_80, %eq3A_535 : vector<16xi32>
    %broadcast_in_dim3A_537 = vector.broadcast %add3A_533 : f32 to vector<16xf32>
    %select_n3A_538 = arith.select %eq3A_536, %broadcast_in_dim3A_537, %select_n3A_530 : vector<16xi1>, vector<16xf32>
    %slice3A_539 = vector.extract_strided_slice %select_n3A_79 {offsets = [7], sizes = [1], strides = [1]} : vector<16xf32> to vector<1xf32>
    %squeeze3A_540 = vector.extract %slice3A_539[0] : f32 from vector<1xf32>
    %add3A_541 = arith.addf %add3A_533, %squeeze3A_540 : f32
    %eq3A_542 = arith.constant 8 : i32
    %eq3A_543 = vector.broadcast %eq3A_542 : i32 to vector<16xi32>
    %eq3A_544 = arith.cmpi eq, %iota3A_80, %eq3A_543 : vector<16xi32>
    %broadcast_in_dim3A_545 = vector.broadcast %add3A_541 : f32 to vector<16xf32>
    %select_n3A_546 = arith.select %eq3A_544, %broadcast_in_dim3A_545, %select_n3A_538 : vector<16xi1>, vector<16xf32>
    %slice3A_547 = vector.extract_strided_slice %select_n3A_79 {offsets = [8], sizes = [1], strides = [1]} : vector<16xf32> to vector<1xf32>
    %squeeze3A_548 = vector.extract %slice3A_547[0] : f32 from vector<1xf32>
    %add3A_549 = arith.addf %add3A_541, %squeeze3A_548 : f32
    %eq3A_550 = arith.constant 9 : i32
    %eq3A_551 = vector.broadcast %eq3A_550 : i32 to vector<16xi32>
    %eq3A_552 = arith.cmpi eq, %iota3A_80, %eq3A_551 : vector<16xi32>
    %broadcast_in_dim3A_553 = vector.broadcast %add3A_549 : f32 to vector<16xf32>
    %select_n3A_554 = arith.select %eq3A_552, %broadcast_in_dim3A_553, %select_n3A_546 : vector<16xi1>, vector<16xf32>
    %slice3A_555 = vector.extract_strided_slice %select_n3A_79 {offsets = [9], sizes = [1], strides = [1]} : vector<16xf32> to vector<1xf32>
    %squeeze3A_556 = vector.extract %slice3A_555[0] : f32 from vector<1xf32>
    %add3A_557 = arith.addf %add3A_549, %squeeze3A_556 : f32
    %eq3A_558 = arith.constant 10 : i32
    %eq3A_559 = vector.broadcast %eq3A_558 : i32 to vector<16xi32>
    %eq3A_560 = arith.cmpi eq, %iota3A_80, %eq3A_559 : vector<16xi32>
    %broadcast_in_dim3A_561 = vector.broadcast %add3A_557 : f32 to vector<16xf32>
    %select_n3A_562 = arith.select %eq3A_560, %broadcast_in_dim3A_561, %select_n3A_554 : vector<16xi1>, vector<16xf32>
    %slice3A_563 = vector.extract_strided_slice %select_n3A_79 {offsets = [10], sizes = [1], strides = [1]} : vector<16xf32> to vector<1xf32>
    %squeeze3A_564 = vector.extract %slice3A_563[0] : f32 from vector<1xf32>
    %add3A_565 = arith.addf %add3A_557, %squeeze3A_564 : f32
    %eq3A_566 = arith.constant 11 : i32
    %eq3A_567 = vector.broadcast %eq3A_566 : i32 to vector<16xi32>
    %eq3A_568 = arith.cmpi eq, %iota3A_80, %eq3A_567 : vector<16xi32>
    %broadcast_in_dim3A_569 = vector.broadcast %add3A_565 : f32 to vector<16xf32>
    %select_n3A_570 = arith.select %eq3A_568, %broadcast_in_dim3A_569, %select_n3A_562 : vector<16xi1>, vector<16xf32>
    %slice3A_571 = vector.extract_strided_slice %select_n3A_79 {offsets = [11], sizes = [1], strides = [1]} : vector<16xf32> to vector<1xf32>
    %squeeze3A_572 = vector.extract %slice3A_571[0] : f32 from vector<1xf32>
    %add3A_573 = arith.addf %add3A_565, %squeeze3A_572 : f32
    %eq3A_574 = arith.constant 12 : i32
    %eq3A_575 = vector.broadcast %eq3A_574 : i32 to vector<16xi32>
    %eq3A_576 = arith.cmpi eq, %iota3A_80, %eq3A_575 : vector<16xi32>
    %broadcast_in_dim3A_577 = vector.broadcast %add3A_573 : f32 to vector<16xf32>
    %select_n3A_578 = arith.select %eq3A_576, %broadcast_in_dim3A_577, %select_n3A_570 : vector<16xi1>, vector<16xf32>
    %slice3A_579 = vector.extract_strided_slice %select_n3A_79 {offsets = [12], sizes = [1], strides = [1]} : vector<16xf32> to vector<1xf32>
    %squeeze3A_580 = vector.extract %slice3A_579[0] : f32 from vector<1xf32>
    %add3A_581 = arith.addf %add3A_573, %squeeze3A_580 : f32
    %eq3A_582 = arith.constant 13 : i32
    %eq3A_583 = vector.broadcast %eq3A_582 : i32 to vector<16xi32>
    %eq3A_584 = arith.cmpi eq, %iota3A_80, %eq3A_583 : vector<16xi32>
    %broadcast_in_dim3A_585 = vector.broadcast %add3A_581 : f32 to vector<16xf32>
    %select_n3A_586 = arith.select %eq3A_584, %broadcast_in_dim3A_585, %select_n3A_578 : vector<16xi1>, vector<16xf32>
    %slice3A_587 = vector.extract_strided_slice %select_n3A_79 {offsets = [13], sizes = [1], strides = [1]} : vector<16xf32> to vector<1xf32>
    %squeeze3A_588 = vector.extract %slice3A_587[0] : f32 from vector<1xf32>
    %add3A_589 = arith.addf %add3A_581, %squeeze3A_588 : f32
    %eq3A_590 = arith.constant 14 : i32
    %eq3A_591 = vector.broadcast %eq3A_590 : i32 to vector<16xi32>
    %eq3A_592 = arith.cmpi eq, %iota3A_80, %eq3A_591 : vector<16xi32>
    %broadcast_in_dim3A_593 = vector.broadcast %add3A_589 : f32 to vector<16xf32>
    %select_n3A_594 = arith.select %eq3A_592, %broadcast_in_dim3A_593, %select_n3A_586 : vector<16xi1>, vector<16xf32>
    %slice3A_595 = vector.extract_strided_slice %select_n3A_79 {offsets = [14], sizes = [1], strides = [1]} : vector<16xf32> to vector<1xf32>
    %squeeze3A_596 = vector.extract %slice3A_595[0] : f32 from vector<1xf32>
    %add3A_597 = arith.addf %add3A_589, %squeeze3A_596 : f32
    %eq3A_598 = arith.constant 15 : i32
    %eq3A_599 = vector.broadcast %eq3A_598 : i32 to vector<16xi32>
    %eq3A_600 = arith.cmpi eq, %iota3A_80, %eq3A_599 : vector<16xi32>
    %broadcast_in_dim3A_601 = vector.broadcast %add3A_597 : f32 to vector<16xf32>
    %select_n3A_602 = arith.select %eq3A_600, %broadcast_in_dim3A_601, %select_n3A_594 : vector<16xi1>, vector<16xf32>
    %slice3A_603 = vector.extract_strided_slice %select_n3A_79 {offsets = [15], sizes = [1], strides = [1]} : vector<16xf32> to vector<1xf32>
    %squeeze3A_604 = vector.extract %slice3A_603[0] : f32 from vector<1xf32>
    %add3A_605 = arith.addf %add3A_597, %squeeze3A_604 : f32
    %add3A_606 = arith.addf %add3A_209, %add3A_341 : f32
    %add3A_607 = arith.addf %add3A_606, %add3A_473 : f32
    %add3A_608 = arith.addf %add3A_607, %add3A_605 : f32
    %broadcast_in_dim3A_609 = arith.constant 0.000000e+00 : f32
    %broadcast_in_dim3A_610 = vector.broadcast %broadcast_in_dim3A_609 : f32 to vector<16xf32>
    %add3A_611 = vector.broadcast %add3A_608 : f32 to vector<16xf32>
    %add3A_612 = arith.addf %broadcast_in_dim3A_610, %add3A_611 : vector<16xf32>
    %swap3A = arith.constant 0 : index
    %swap3A_613 = tpu.vector_load %arg5[%swap3A] {strides = array<i32>} : memref<16xf32, #tpu.memory_space<vmem>>, vector<16xf32>,
    %swap3A_614 = vector.shape_cast %swap3A_613 : vector<16xf32> to vector<16xf32>
    %swap3A_615 = vector.shape_cast %add3A_612 : vector<16xf32> to vector<16xf32>
    tpu.vector_store %arg5[%swap3A], %swap3A_615 {strides = array<i32>} : memref<16xf32, #tpu.memory_space<vmem>>, vector<16xf32>,
    %mul3A_616 = arith.constant 16 : i32
    %mul3A_617 = arith.muli %arg1, %mul3A_616 : i32
    "tpu.region"() ({
      %run_scoped3A_868 = tpu.sem_alloc : memref<!tpu.dma_semaphore, #tpu.memory_space<semaphore_mem>>
      %dma_start3A = tpu.memref_slice %arg11[%mul3A_617] : memref<256xf32, #tpu.memory_space<vmem_shared>> -> memref<16xf32, #tpu.memory_space<vmem_shared>>
      %dma_start3A_869 = tpu.memref_slice %arg11[%mul3A_617] : memref<256xf32, #tpu.memory_space<vmem_shared>> -> memref<16xf32, #tpu.memory_space<vmem_shared>>
      tpu.enqueue_dma source(%arg5 : memref<16xf32, #tpu.memory_space<vmem>>) target(%dma_start3A_869 : memref<16xf32, #tpu.memory_space<vmem_shared>>) target_semaphore(%run_scoped3A_868 : memref<!tpu.dma_semaphore, #tpu.memory_space<semaphore_mem>>)
      %dma_wait3A = tpu.memref_slice %arg11[%mul3A_617] : memref<256xf32, #tpu.memory_space<vmem_shared>> -> memref<16xf32, #tpu.memory_space<vmem_shared>>
      %dma_wait3A_870 = tpu.memref_slice %arg11[%mul3A_617] : memref<256xf32, #tpu.memory_space<vmem_shared>> -> memref<16xf32, #tpu.memory_space<vmem_shared>>
      tpu.wait_dma2 semaphore(%run_scoped3A_868 : memref<!tpu.dma_semaphore, #tpu.memory_space<semaphore_mem>>) src(%arg5 : memref<16xf32, #tpu.memory_space<vmem>>) dst(%dma_wait3A_870 : memref<16xf32, #tpu.memory_space<vmem_shared>>)
      tpu.yield
    }) : () -> ()
    %barrier3A = arith.constant 0 : index
    tpu.barrier barrier_id(%barrier3A)
    "tpu.region"() ({
      %run_scoped3A_868 = tpu.sem_alloc : memref<!tpu.dma_semaphore, #tpu.memory_space<semaphore_mem>>
      tpu.enqueue_dma source(%arg11 : memref<256xf32, #tpu.memory_space<vmem_shared>>) target(%arg6 : memref<256xf32, #tpu.memory_space<vmem>>) target_semaphore(%run_scoped3A_868 : memref<!tpu.dma_semaphore, #tpu.memory_space<semaphore_mem>>)
      tpu.wait_dma2 semaphore(%run_scoped3A_868 : memref<!tpu.dma_semaphore, #tpu.memory_space<semaphore_mem>>) src(%arg11 : memref<256xf32, #tpu.memory_space<vmem_shared>>) dst(%arg6 : memref<256xf32, #tpu.memory_space<vmem>>)
      tpu.yield
    }) : () -> ()
    %get3A_618 = arith.constant 0 : index
    %get3A_619 = tpu.vector_load %arg6[%get3A_618] {strides = array<i32>} : memref<256xf32, #tpu.memory_space<vmem>>, vector<16xf32>,
    %get3A_620 = vector.shape_cast %get3A_619 : vector<16xf32> to vector<16xf32>
    %slice3A_621 = vector.extract_strided_slice %get3A_620 {offsets = [0], sizes = [1], strides = [1]} : vector<16xf32> to vector<1xf32>
    %squeeze3A_622 = vector.extract %slice3A_621[0] : f32 from vector<1xf32>
    %gt3A = arith.constant 0 : i32
    %gt3A_623 = arith.cmpi sgt, %arg1, %gt3A : i32
    %jit3A_624 = arith.constant 0.000000e+00 : f32
    %select_n3A_625 = arith.select %gt3A_623, %squeeze3A_622, %jit3A_624 : f32
    %add3A_626 = arith.constant 0.000000e+00 : f32
    %add3A_627 = arith.addf %add3A_626, %select_n3A_625 : f32
    %get3A_628 = arith.constant 16 : index
    %get3A_629 = tpu.vector_load %arg6[%get3A_628] {strides = array<i32>} : memref<256xf32, #tpu.memory_space<vmem>>, vector<16xf32>,
    %get3A_630 = vector.shape_cast %get3A_629 : vector<16xf32> to vector<16xf32>
    %slice3A_631 = vector.extract_strided_slice %get3A_630 {offsets = [0], sizes = [1], strides = [1]} : vector<16xf32> to vector<1xf32>
    %squeeze3A_632 = vector.extract %slice3A_631[0] : f32 from vector<1xf32>
    %gt3A_633 = arith.constant 1 : i32
    %gt3A_634 = arith.cmpi sgt, %arg1, %gt3A_633 : i32
    %jit3A_635 = arith.constant 0.000000e+00 : f32
    %select_n3A_636 = arith.select %gt3A_634, %squeeze3A_632, %jit3A_635 : f32
    %add3A_637 = arith.addf %add3A_627, %select_n3A_636 : f32
    %get3A_638 = arith.constant 32 : index
    %get3A_639 = tpu.vector_load %arg6[%get3A_638] {strides = array<i32>} : memref<256xf32, #tpu.memory_space<vmem>>, vector<16xf32>,
    %get3A_640 = vector.shape_cast %get3A_639 : vector<16xf32> to vector<16xf32>
    %slice3A_641 = vector.extract_strided_slice %get3A_640 {offsets = [0], sizes = [1], strides = [1]} : vector<16xf32> to vector<1xf32>
    %squeeze3A_642 = vector.extract %slice3A_641[0] : f32 from vector<1xf32>
    %gt3A_643 = arith.constant 2 : i32
    %gt3A_644 = arith.cmpi sgt, %arg1, %gt3A_643 : i32
    %jit3A_645 = arith.constant 0.000000e+00 : f32
    %select_n3A_646 = arith.select %gt3A_644, %squeeze3A_642, %jit3A_645 : f32
    %add3A_647 = arith.addf %add3A_637, %select_n3A_646 : f32
    %get3A_648 = arith.constant 48 : index
    %get3A_649 = tpu.vector_load %arg6[%get3A_648] {strides = array<i32>} : memref<256xf32, #tpu.memory_space<vmem>>, vector<16xf32>,
    %get3A_650 = vector.shape_cast %get3A_649 : vector<16xf32> to vector<16xf32>
    %slice3A_651 = vector.extract_strided_slice %get3A_650 {offsets = [0], sizes = [1], strides = [1]} : vector<16xf32> to vector<1xf32>
    %squeeze3A_652 = vector.extract %slice3A_651[0] : f32 from vector<1xf32>
    %gt3A_653 = arith.constant 3 : i32
    %gt3A_654 = arith.cmpi sgt, %arg1, %gt3A_653 : i32
    %jit3A_655 = arith.constant 0.000000e+00 : f32
    %select_n3A_656 = arith.select %gt3A_654, %squeeze3A_652, %jit3A_655 : f32
    %add3A_657 = arith.addf %add3A_647, %select_n3A_656 : f32
    %get3A_658 = arith.constant 64 : index
    %get3A_659 = tpu.vector_load %arg6[%get3A_658] {strides = array<i32>} : memref<256xf32, #tpu.memory_space<vmem>>, vector<16xf32>,
    %get3A_660 = vector.shape_cast %get3A_659 : vector<16xf32> to vector<16xf32>
    %slice3A_661 = vector.extract_strided_slice %get3A_660 {offsets = [0], sizes = [1], strides = [1]} : vector<16xf32> to vector<1xf32>
    %squeeze3A_662 = vector.extract %slice3A_661[0] : f32 from vector<1xf32>
    %gt3A_663 = arith.constant 4 : i32
    %gt3A_664 = arith.cmpi sgt, %arg1, %gt3A_663 : i32
    %jit3A_665 = arith.constant 0.000000e+00 : f32
    %select_n3A_666 = arith.select %gt3A_664, %squeeze3A_662, %jit3A_665 : f32
    %add3A_667 = arith.addf %add3A_657, %select_n3A_666 : f32
    %get3A_668 = arith.constant 80 : index
    %get3A_669 = tpu.vector_load %arg6[%get3A_668] {strides = array<i32>} : memref<256xf32, #tpu.memory_space<vmem>>, vector<16xf32>,
    %get3A_670 = vector.shape_cast %get3A_669 : vector<16xf32> to vector<16xf32>
    %slice3A_671 = vector.extract_strided_slice %get3A_670 {offsets = [0], sizes = [1], strides = [1]} : vector<16xf32> to vector<1xf32>
    %squeeze3A_672 = vector.extract %slice3A_671[0] : f32 from vector<1xf32>
    %gt3A_673 = arith.constant 5 : i32
    %gt3A_674 = arith.cmpi sgt, %arg1, %gt3A_673 : i32
    %jit3A_675 = arith.constant 0.000000e+00 : f32
    %select_n3A_676 = arith.select %gt3A_674, %squeeze3A_672, %jit3A_675 : f32
    %add3A_677 = arith.addf %add3A_667, %select_n3A_676 : f32
    %get3A_678 = arith.constant 96 : index
    %get3A_679 = tpu.vector_load %arg6[%get3A_678] {strides = array<i32>} : memref<256xf32, #tpu.memory_space<vmem>>, vector<16xf32>,
    %get3A_680 = vector.shape_cast %get3A_679 : vector<16xf32> to vector<16xf32>
    %slice3A_681 = vector.extract_strided_slice %get3A_680 {offsets = [0], sizes = [1], strides = [1]} : vector<16xf32> to vector<1xf32>
    %squeeze3A_682 = vector.extract %slice3A_681[0] : f32 from vector<1xf32>
    %gt3A_683 = arith.constant 6 : i32
    %gt3A_684 = arith.cmpi sgt, %arg1, %gt3A_683 : i32
    %jit3A_685 = arith.constant 0.000000e+00 : f32
    %select_n3A_686 = arith.select %gt3A_684, %squeeze3A_682, %jit3A_685 : f32
    %add3A_687 = arith.addf %add3A_677, %select_n3A_686 : f32
    %get3A_688 = arith.constant 112 : index
    %get3A_689 = tpu.vector_load %arg6[%get3A_688] {strides = array<i32>} : memref<256xf32, #tpu.memory_space<vmem>>, vector<16xf32>,
    %get3A_690 = vector.shape_cast %get3A_689 : vector<16xf32> to vector<16xf32>
    %slice3A_691 = vector.extract_strided_slice %get3A_690 {offsets = [0], sizes = [1], strides = [1]} : vector<16xf32> to vector<1xf32>
    %squeeze3A_692 = vector.extract %slice3A_691[0] : f32 from vector<1xf32>
    %gt3A_693 = arith.constant 7 : i32
    %gt3A_694 = arith.cmpi sgt, %arg1, %gt3A_693 : i32
    %jit3A_695 = arith.constant 0.000000e+00 : f32
    %select_n3A_696 = arith.select %gt3A_694, %squeeze3A_692, %jit3A_695 : f32
    %add3A_697 = arith.addf %add3A_687, %select_n3A_696 : f32
    %get3A_698 = arith.constant 128 : index
    %get3A_699 = tpu.vector_load %arg6[%get3A_698] {strides = array<i32>} : memref<256xf32, #tpu.memory_space<vmem>>, vector<16xf32>,
    %get3A_700 = vector.shape_cast %get3A_699 : vector<16xf32> to vector<16xf32>
    %slice3A_701 = vector.extract_strided_slice %get3A_700 {offsets = [0], sizes = [1], strides = [1]} : vector<16xf32> to vector<1xf32>
    %squeeze3A_702 = vector.extract %slice3A_701[0] : f32 from vector<1xf32>
    %gt3A_703 = arith.constant 8 : i32
    %gt3A_704 = arith.cmpi sgt, %arg1, %gt3A_703 : i32
    %jit3A_705 = arith.constant 0.000000e+00 : f32
    %select_n3A_706 = arith.select %gt3A_704, %squeeze3A_702, %jit3A_705 : f32
    %add3A_707 = arith.addf %add3A_697, %select_n3A_706 : f32
    %get3A_708 = arith.constant 144 : index
    %get3A_709 = tpu.vector_load %arg6[%get3A_708] {strides = array<i32>} : memref<256xf32, #tpu.memory_space<vmem>>, vector<16xf32>,
    %get3A_710 = vector.shape_cast %get3A_709 : vector<16xf32> to vector<16xf32>
    %slice3A_711 = vector.extract_strided_slice %get3A_710 {offsets = [0], sizes = [1], strides = [1]} : vector<16xf32> to vector<1xf32>
    %squeeze3A_712 = vector.extract %slice3A_711[0] : f32 from vector<1xf32>
    %gt3A_713 = arith.constant 9 : i32
    %gt3A_714 = arith.cmpi sgt, %arg1, %gt3A_713 : i32
    %jit3A_715 = arith.constant 0.000000e+00 : f32
    %select_n3A_716 = arith.select %gt3A_714, %squeeze3A_712, %jit3A_715 : f32
    %add3A_717 = arith.addf %add3A_707, %select_n3A_716 : f32
    %get3A_718 = arith.constant 160 : index
    %get3A_719 = tpu.vector_load %arg6[%get3A_718] {strides = array<i32>} : memref<256xf32, #tpu.memory_space<vmem>>, vector<16xf32>,
    %get3A_720 = vector.shape_cast %get3A_719 : vector<16xf32> to vector<16xf32>
    %slice3A_721 = vector.extract_strided_slice %get3A_720 {offsets = [0], sizes = [1], strides = [1]} : vector<16xf32> to vector<1xf32>
    %squeeze3A_722 = vector.extract %slice3A_721[0] : f32 from vector<1xf32>
    %gt3A_723 = arith.constant 10 : i32
    %gt3A_724 = arith.cmpi sgt, %arg1, %gt3A_723 : i32
    %jit3A_725 = arith.constant 0.000000e+00 : f32
    %select_n3A_726 = arith.select %gt3A_724, %squeeze3A_722, %jit3A_725 : f32
    %add3A_727 = arith.addf %add3A_717, %select_n3A_726 : f32
    %get3A_728 = arith.constant 176 : index
    %get3A_729 = tpu.vector_load %arg6[%get3A_728] {strides = array<i32>} : memref<256xf32, #tpu.memory_space<vmem>>, vector<16xf32>,
    %get3A_730 = vector.shape_cast %get3A_729 : vector<16xf32> to vector<16xf32>
    %slice3A_731 = vector.extract_strided_slice %get3A_730 {offsets = [0], sizes = [1], strides = [1]} : vector<16xf32> to vector<1xf32>
    %squeeze3A_732 = vector.extract %slice3A_731[0] : f32 from vector<1xf32>
    %gt3A_733 = arith.constant 11 : i32
    %gt3A_734 = arith.cmpi sgt, %arg1, %gt3A_733 : i32
    %jit3A_735 = arith.constant 0.000000e+00 : f32
    %select_n3A_736 = arith.select %gt3A_734, %squeeze3A_732, %jit3A_735 : f32
    %add3A_737 = arith.addf %add3A_727, %select_n3A_736 : f32
    %get3A_738 = arith.constant 192 : index
    %get3A_739 = tpu.vector_load %arg6[%get3A_738] {strides = array<i32>} : memref<256xf32, #tpu.memory_space<vmem>>, vector<16xf32>,
    %get3A_740 = vector.shape_cast %get3A_739 : vector<16xf32> to vector<16xf32>
    %slice3A_741 = vector.extract_strided_slice %get3A_740 {offsets = [0], sizes = [1], strides = [1]} : vector<16xf32> to vector<1xf32>
    %squeeze3A_742 = vector.extract %slice3A_741[0] : f32 from vector<1xf32>
    %gt3A_743 = arith.constant 12 : i32
    %gt3A_744 = arith.cmpi sgt, %arg1, %gt3A_743 : i32
    %jit3A_745 = arith.constant 0.000000e+00 : f32
    %select_n3A_746 = arith.select %gt3A_744, %squeeze3A_742, %jit3A_745 : f32
    %add3A_747 = arith.addf %add3A_737, %select_n3A_746 : f32
    %get3A_748 = arith.constant 208 : index
    %get3A_749 = tpu.vector_load %arg6[%get3A_748] {strides = array<i32>} : memref<256xf32, #tpu.memory_space<vmem>>, vector<16xf32>,
    %get3A_750 = vector.shape_cast %get3A_749 : vector<16xf32> to vector<16xf32>
    %slice3A_751 = vector.extract_strided_slice %get3A_750 {offsets = [0], sizes = [1], strides = [1]} : vector<16xf32> to vector<1xf32>
    %squeeze3A_752 = vector.extract %slice3A_751[0] : f32 from vector<1xf32>
    %gt3A_753 = arith.constant 13 : i32
    %gt3A_754 = arith.cmpi sgt, %arg1, %gt3A_753 : i32
    %jit3A_755 = arith.constant 0.000000e+00 : f32
    %select_n3A_756 = arith.select %gt3A_754, %squeeze3A_752, %jit3A_755 : f32
    %add3A_757 = arith.addf %add3A_747, %select_n3A_756 : f32
    %get3A_758 = arith.constant 224 : index
    %get3A_759 = tpu.vector_load %arg6[%get3A_758] {strides = array<i32>} : memref<256xf32, #tpu.memory_space<vmem>>, vector<16xf32>,
    %get3A_760 = vector.shape_cast %get3A_759 : vector<16xf32> to vector<16xf32>
    %slice3A_761 = vector.extract_strided_slice %get3A_760 {offsets = [0], sizes = [1], strides = [1]} : vector<16xf32> to vector<1xf32>
    %squeeze3A_762 = vector.extract %slice3A_761[0] : f32 from vector<1xf32>
    %gt3A_763 = arith.constant 14 : i32
    %gt3A_764 = arith.cmpi sgt, %arg1, %gt3A_763 : i32
    %jit3A_765 = arith.constant 0.000000e+00 : f32
    %select_n3A_766 = arith.select %gt3A_764, %squeeze3A_762, %jit3A_765 : f32
    %add3A_767 = arith.addf %add3A_757, %select_n3A_766 : f32
    %get3A_768 = arith.constant 240 : index
    %get3A_769 = tpu.vector_load %arg6[%get3A_768] {strides = array<i32>} : memref<256xf32, #tpu.memory_space<vmem>>, vector<16xf32>,
    %get3A_770 = vector.shape_cast %get3A_769 : vector<16xf32> to vector<16xf32>
    %slice3A_771 = vector.extract_strided_slice %get3A_770 {offsets = [0], sizes = [1], strides = [1]} : vector<16xf32> to vector<1xf32>
    %squeeze3A_772 = vector.extract %slice3A_771[0] : f32 from vector<1xf32>
    %gt3A_773 = arith.constant 15 : i32
    %gt3A_774 = arith.cmpi sgt, %arg1, %gt3A_773 : i32
    %jit3A_775 = arith.constant 0.000000e+00 : f32
    %select_n3A_776 = arith.select %gt3A_774, %squeeze3A_772, %jit3A_775 : f32
    %add3A_777 = arith.addf %add3A_767, %select_n3A_776 : f32
    %convert_element_type3A = arith.sitofp %arg1 : i32 to f32
    %add3A_778 = arith.constant 5.120000e+02 : f32
    %add3A_779 = arith.addf %add3A_778, %convert_element_type3A : f32
    %add3A_780 = vector.broadcast %add3A_777 : f32 to vector<16xf32>
    %add3A_781 = arith.addf %select_n3A_206, %add3A_780 : vector<16xf32>
    %broadcast_in_dim3A_782 = vector.broadcast %add3A_779 : f32 to vector<16xf32>
    %select_n3A_783 = arith.select %lt3A_52, %add3A_781, %broadcast_in_dim3A_782 : vector<16xi1>, vector<16xf32>
    %add3A_784 = arith.addf %add3A_777, %add3A_209 : f32
    %convert_element_type3A_785 = arith.sitofp %add3A_23 : vector<16xi32> to vector<16xf32>
    %mul3A_786 = arith.constant 0.00195503421 : f32
    %mul3A_787 = vector.broadcast %mul3A_786 : f32 to vector<16xf32>
    %mul3A_788 = arith.mulf %convert_element_type3A_785, %mul3A_787 : vector<16xf32>
    %sub3A = arith.constant 1.000000e+00 : f32
    %sub3A_789 = vector.broadcast %sub3A : f32 to vector<16xf32>
    %sub3A_790 = arith.subf %mul3A_788, %sub3A_789 : vector<16xf32>
    %convert_element_type3A_791 = arith.fptosi %select_n3A_783 : vector<16xf32> to vector<16xi32>
    %swap3A_792 = arith.constant 0 : index
    %swap3A_793 = tpu.vector_load %arg7[%swap3A_792] {strides = array<i32>} : memref<64xi32, #tpu.memory_space<vmem>>, vector<16xi32>,
    %swap3A_794 = vector.shape_cast %swap3A_793 : vector<16xi32> to vector<16xi32>
    %swap3A_795 = vector.shape_cast %convert_element_type3A_791 : vector<16xi32> to vector<16xi32>
    tpu.vector_store %arg7[%swap3A_792], %swap3A_795 {strides = array<i32>} : memref<64xi32, #tpu.memory_space<vmem>>, vector<16xi32>,
    %swap3A_796 = arith.constant 0 : index
    %swap3A_797 = tpu.vector_load %arg8[%swap3A_796] {strides = array<i32>} : memref<64xf32, #tpu.memory_space<vmem>>, vector<16xf32>,
    %swap3A_798 = vector.shape_cast %swap3A_797 : vector<16xf32> to vector<16xf32>
    %swap3A_799 = vector.shape_cast %sub3A_790 : vector<16xf32> to vector<16xf32>
    tpu.vector_store %arg8[%swap3A_796], %swap3A_799 {strides = array<i32>} : memref<64xf32, #tpu.memory_space<vmem>>, vector<16xf32>,
    %add3A_800 = vector.broadcast %add3A_784 : f32 to vector<16xf32>
    %add3A_801 = arith.addf %select_n3A_338, %add3A_800 : vector<16xf32>
    %broadcast_in_dim3A_802 = vector.broadcast %add3A_779 : f32 to vector<16xf32>
    %select_n3A_803 = arith.select %lt3A_55, %add3A_801, %broadcast_in_dim3A_802 : vector<16xi1>, vector<16xf32>
    %add3A_804 = arith.addf %add3A_784, %add3A_341 : f32
    %convert_element_type3A_805 = arith.sitofp %add3A_28 : vector<16xi32> to vector<16xf32>
    %mul3A_806 = arith.constant 0.00195503421 : f32
    %mul3A_807 = vector.broadcast %mul3A_806 : f32 to vector<16xf32>
    %mul3A_808 = arith.mulf %convert_element_type3A_805, %mul3A_807 : vector<16xf32>
    %sub3A_809 = arith.constant 1.000000e+00 : f32
    %sub3A_810 = vector.broadcast %sub3A_809 : f32 to vector<16xf32>
    %sub3A_811 = arith.subf %mul3A_808, %sub3A_810 : vector<16xf32>
    %convert_element_type3A_812 = arith.fptosi %select_n3A_803 : vector<16xf32> to vector<16xi32>
    %swap3A_813 = arith.constant 16 : index
    %swap3A_814 = tpu.vector_load %arg7[%swap3A_813] {strides = array<i32>} : memref<64xi32, #tpu.memory_space<vmem>>, vector<16xi32>,
    %swap3A_815 = vector.shape_cast %swap3A_814 : vector<16xi32> to vector<16xi32>
    %swap3A_816 = vector.shape_cast %convert_element_type3A_812 : vector<16xi32> to vector<16xi32>
    tpu.vector_store %arg7[%swap3A_813], %swap3A_816 {strides = array<i32>} : memref<64xi32, #tpu.memory_space<vmem>>, vector<16xi32>,
    %swap3A_817 = arith.constant 16 : index
    %swap3A_818 = tpu.vector_load %arg8[%swap3A_817] {strides = array<i32>} : memref<64xf32, #tpu.memory_space<vmem>>, vector<16xf32>,
    %swap3A_819 = vector.shape_cast %swap3A_818 : vector<16xf32> to vector<16xf32>
    %swap3A_820 = vector.shape_cast %sub3A_811 : vector<16xf32> to vector<16xf32>
    tpu.vector_store %arg8[%swap3A_817], %swap3A_820 {strides = array<i32>} : memref<64xf32, #tpu.memory_space<vmem>>, vector<16xf32>,
    %add3A_821 = vector.broadcast %add3A_804 : f32 to vector<16xf32>
    %add3A_822 = arith.addf %select_n3A_470, %add3A_821 : vector<16xf32>
    %broadcast_in_dim3A_823 = vector.broadcast %add3A_779 : f32 to vector<16xf32>
    %select_n3A_824 = arith.select %lt3A_58, %add3A_822, %broadcast_in_dim3A_823 : vector<16xi1>, vector<16xf32>
    %add3A_825 = arith.addf %add3A_804, %add3A_473 : f32
    %convert_element_type3A_826 = arith.sitofp %add3A_33 : vector<16xi32> to vector<16xf32>
    %mul3A_827 = arith.constant 0.00195503421 : f32
    %mul3A_828 = vector.broadcast %mul3A_827 : f32 to vector<16xf32>
    %mul3A_829 = arith.mulf %convert_element_type3A_826, %mul3A_828 : vector<16xf32>
    %sub3A_830 = arith.constant 1.000000e+00 : f32
    %sub3A_831 = vector.broadcast %sub3A_830 : f32 to vector<16xf32>
    %sub3A_832 = arith.subf %mul3A_829, %sub3A_831 : vector<16xf32>
    %convert_element_type3A_833 = arith.fptosi %select_n3A_824 : vector<16xf32> to vector<16xi32>
    %swap3A_834 = arith.constant 32 : index
    %swap3A_835 = tpu.vector_load %arg7[%swap3A_834] {strides = array<i32>} : memref<64xi32, #tpu.memory_space<vmem>>, vector<16xi32>,
    %swap3A_836 = vector.shape_cast %swap3A_835 : vector<16xi32> to vector<16xi32>
    %swap3A_837 = vector.shape_cast %convert_element_type3A_833 : vector<16xi32> to vector<16xi32>
    tpu.vector_store %arg7[%swap3A_834], %swap3A_837 {strides = array<i32>} : memref<64xi32, #tpu.memory_space<vmem>>, vector<16xi32>,
    %swap3A_838 = arith.constant 32 : index
    %swap3A_839 = tpu.vector_load %arg8[%swap3A_838] {strides = array<i32>} : memref<64xf32, #tpu.memory_space<vmem>>, vector<16xf32>,
    %swap3A_840 = vector.shape_cast %swap3A_839 : vector<16xf32> to vector<16xf32>
    %swap3A_841 = vector.shape_cast %sub3A_832 : vector<16xf32> to vector<16xf32>
    tpu.vector_store %arg8[%swap3A_838], %swap3A_841 {strides = array<i32>} : memref<64xf32, #tpu.memory_space<vmem>>, vector<16xf32>,
    %add3A_842 = vector.broadcast %add3A_825 : f32 to vector<16xf32>
    %add3A_843 = arith.addf %select_n3A_602, %add3A_842 : vector<16xf32>
    %broadcast_in_dim3A_844 = vector.broadcast %add3A_779 : f32 to vector<16xf32>
    %select_n3A_845 = arith.select %lt3A_61, %add3A_843, %broadcast_in_dim3A_844 : vector<16xi1>, vector<16xf32>
    %add3A_846 = arith.addf %add3A_825, %add3A_605 : f32
    %convert_element_type3A_847 = arith.sitofp %add3A_38 : vector<16xi32> to vector<16xf32>
    %mul3A_848 = arith.constant 0.00195503421 : f32
    %mul3A_849 = vector.broadcast %mul3A_848 : f32 to vector<16xf32>
    %mul3A_850 = arith.mulf %convert_element_type3A_847, %mul3A_849 : vector<16xf32>
    %sub3A_851 = arith.constant 1.000000e+00 : f32
    %sub3A_852 = vector.broadcast %sub3A_851 : f32 to vector<16xf32>
    %sub3A_853 = arith.subf %mul3A_850, %sub3A_852 : vector<16xf32>
    %convert_element_type3A_854 = arith.fptosi %select_n3A_845 : vector<16xf32> to vector<16xi32>
    %swap3A_855 = arith.constant 48 : index
    %swap3A_856 = tpu.vector_load %arg7[%swap3A_855] {strides = array<i32>} : memref<64xi32, #tpu.memory_space<vmem>>, vector<16xi32>,
    %swap3A_857 = vector.shape_cast %swap3A_856 : vector<16xi32> to vector<16xi32>
    %swap3A_858 = vector.shape_cast %convert_element_type3A_854 : vector<16xi32> to vector<16xi32>
    tpu.vector_store %arg7[%swap3A_855], %swap3A_858 {strides = array<i32>} : memref<64xi32, #tpu.memory_space<vmem>>, vector<16xi32>,
    %swap3A_859 = arith.constant 48 : index
    %swap3A_860 = tpu.vector_load %arg8[%swap3A_859] {strides = array<i32>} : memref<64xf32, #tpu.memory_space<vmem>>, vector<16xf32>,
    %swap3A_861 = vector.shape_cast %swap3A_860 : vector<16xf32> to vector<16xf32>
    %swap3A_862 = vector.shape_cast %sub3A_853 : vector<16xf32> to vector<16xf32>
    tpu.vector_store %arg8[%swap3A_859], %swap3A_862 {strides = array<i32>} : memref<64xf32, #tpu.memory_space<vmem>>, vector<16xf32>,
    "tpu.region"() ({
      %run_scoped3A_868 = tpu.sem_alloc : memref<!tpu.dma_semaphore, #tpu.memory_space<semaphore_mem>>
      %dma_start3A = arith.constant 0 : i32
      %dma_start3A_869 = tpu.memref_slice %arg10[%dma_start3A] : memref<528xf32, #tpu.memory_space<vmem_shared>> -> memref<528xf32, #tpu.memory_space<vmem_shared>>
      tpu.enqueue_indirect_dma source(%arg8 : memref<64xf32, #tpu.memory_space<vmem>>) target(%dma_start3A_869 : memref<528xf32, #tpu.memory_space<vmem_shared>>) offsets(%arg7 : memref<64xi32, #tpu.memory_space<vmem>>) semaphore(%run_scoped3A_868 : memref<!tpu.dma_semaphore, #tpu.memory_space<semaphore_mem>>)
      %dma_wait3A = arith.constant 0 : i32
      %dma_wait3A_870 = tpu.memref_slice %arg10[%dma_wait3A] : memref<528xf32, #tpu.memory_space<vmem_shared>> -> memref<528xf32, #tpu.memory_space<vmem_shared>>
      tpu.wait_indirect_dma semaphore(%run_scoped3A_868 : memref<!tpu.dma_semaphore, #tpu.memory_space<semaphore_mem>>) src(%arg8 : memref<64xf32, #tpu.memory_space<vmem>>) dst(%dma_wait3A_870 : memref<528xf32, #tpu.memory_space<vmem_shared>>)
      tpu.yield
    }) : () -> ()
    %barrier3A_863 = arith.constant 0 : index
    tpu.barrier barrier_id(%barrier3A_863)
    %eq3A_864 = arith.constant 0 : i32
    %eq3A_865 = arith.cmpi eq, %arg1, %eq3A_864 : i32
    %convert_element_type3A_866 = arith.extui %eq3A_865 : i1 to i32
    %cond3A = arith.constant 0 : i32
    %cond3A_867 = arith.cmpi ne, %convert_element_type3A_866, %cond3A : i32
    scf.if %cond3A_867 {
      "tpu.region"() ({
        %run_scoped3A_868 = tpu.sem_alloc : memref<!tpu.dma_semaphore, #tpu.memory_space<semaphore_mem>>
        %dma_start3A = arith.constant 0 : i32
        %dma_start3A_869 = tpu.memref_slice %arg10[%dma_start3A] : memref<528xf32, #tpu.memory_space<vmem_shared>> -> memref<512xf32, #tpu.memory_space<vmem_shared>>
        %dma_start3A_870 = arith.constant 0 : i32
        %dma_start3A_871 = tpu.memref_slice %arg10[%dma_start3A_870] : memref<528xf32, #tpu.memory_space<vmem_shared>> -> memref<512xf32, #tpu.memory_space<vmem_shared>>
        tpu.enqueue_dma source(%dma_start3A_871 : memref<512xf32, #tpu.memory_space<vmem_shared>>) target(%arg9 : memref<512xf32, #tpu.memory_space<vmem>>) target_semaphore(%run_scoped3A_868 : memref<!tpu.dma_semaphore, #tpu.memory_space<semaphore_mem>>)
        %dma_wait3A = arith.constant 0 : i32
        %dma_wait3A_872 = tpu.memref_slice %arg10[%dma_wait3A] : memref<528xf32, #tpu.memory_space<vmem_shared>> -> memref<512xf32, #tpu.memory_space<vmem_shared>>
        %dma_wait3A_873 = arith.constant 0 : i32
        %dma_wait3A_874 = tpu.memref_slice %arg10[%dma_wait3A_873] : memref<528xf32, #tpu.memory_space<vmem_shared>> -> memref<512xf32, #tpu.memory_space<vmem_shared>>
        tpu.wait_dma2 semaphore(%run_scoped3A_868 : memref<!tpu.dma_semaphore, #tpu.memory_space<semaphore_mem>>) src(%dma_wait3A_874 : memref<512xf32, #tpu.memory_space<vmem_shared>>) dst(%arg9 : memref<512xf32, #tpu.memory_space<vmem>>)
        tpu.yield
      }) : () -> ()
      "tpu.region"() ({
        %run_scoped3A_868 = tpu.sem_alloc : memref<!tpu.dma_semaphore, #tpu.memory_space<semaphore_mem>>
        tpu.enqueue_dma source(%arg9 : memref<512xf32, #tpu.memory_space<vmem>>) target(%arg3 : memref<512xf32, #tpu.memory_space<hbm>>) target_semaphore(%run_scoped3A_868 : memref<!tpu.dma_semaphore, #tpu.memory_space<semaphore_mem>>)
        tpu.wait_dma2 semaphore(%run_scoped3A_868 : memref<!tpu.dma_semaphore, #tpu.memory_space<semaphore_mem>>) src(%arg9 : memref<512xf32, #tpu.memory_space<vmem>>) dst(%arg3 : memref<512xf32, #tpu.memory_space<hbm>>)
        tpu.yield
      }) : () -> ()
    } else {
    }
    return
  }
}

module attributes {stable_mosaic.version = 14 : i64} {
  func.func @_reduce_body(%arg0: i32, %arg1: memref<512x1024xf32, #tpu.memory_space<vmem>>, %arg2: memref<512x1024xf32, #tpu.memory_space<vmem>>, %arg3: memref<1x1024xf32, #tpu.memory_space<vmem>>, %arg4: memref<1024x1xf32, #tpu.memory_space<vmem>>, %arg5: memref<1x1024xf32, #tpu.memory_space<vmem>>) attributes {dimension_semantics = [#tpu.dimension_semantics<arbitrary>], iteration_bounds = array<i64: 18>, scalar_prefetch = 0 : i64, scratch_operands = 2 : i64, tpu.core_type = #tpu.core_type<tc>, window_params = [{transform_indices = @transform_0, window_bounds = array<i64: 512, 1024>}, {transform_indices = @transform_1, window_bounds = array<i64: 512, 1024>}, {pipeline_mode = #tpu.pipeline_mode<synchronous>, transform_indices = @transform_2, window_bounds = array<i64: 1, 1024>}]} {
    %jit3A = arith.constant 2 : i32
    %eq3A = arith.constant 0 : i32
    %eq3A_0 = arith.cmpi eq, %jit3A, %eq3A : i32
    %jit3A_1 = arith.constant 1 : i32
    %select_n3A = arith.select %eq3A_0, %jit3A_1, %jit3A : i32
    %rem3A = arith.remsi %arg0, %select_n3A : i32
    %ne3A = arith.constant 0 : i32
    %ne3A_2 = arith.cmpi ne, %rem3A, %ne3A : i32
    %lt3A = arith.constant 0 : i32
    %lt3A_3 = arith.cmpi slt, %rem3A, %lt3A : i32
    %lt3A_4 = arith.constant 0 : i32
    %lt3A_5 = arith.cmpi slt, %select_n3A, %lt3A_4 : i32
    %ne3A_6 = arith.xori %lt3A_3, %lt3A_5 : i1
    %and3A = arith.andi %ne3A_6, %ne3A_2 : i1
    %add3A = arith.addi %rem3A, %select_n3A : i32
    %select_n3A_7 = arith.select %and3A, %add3A, %rem3A : i32
    %mul3A = arith.constant 512 : i32
    %mul3A_8 = arith.muli %select_n3A_7, %mul3A : i32
    %get3A = arith.constant 0 : index
    %get3A_9 = arith.constant 0 : index
    %get3A_10 = vector.load %arg1[%get3A, %get3A_9] : memref<512x1024xf32, #tpu.memory_space<vmem>>, vector<512x1024xf32>
    %abs3A = math.absf %get3A_10 : vector<512x1024xf32>
    %reduce_sum3A = arith.constant dense<0.000000e+00> : vector<512xf32>
    %reduce_sum3A_11 = vector.multi_reduction <add>, %abs3A, %reduce_sum3A [1] : vector<512x1024xf32> to vector<512xf32>
    %broadcast_in_dim3A = vector.shape_cast %reduce_sum3A_11 : vector<512xf32> to vector<512x1xf32>
    %lt3A_12 = arith.constant 2 : i32
    %lt3A_13 = arith.cmpi slt, %arg0, %lt3A_12 : i32
    %convert_element_type3A = arith.extui %lt3A_13 : i1 to i32
    %cond3A = arith.constant 0 : i32
    %cond3A_14 = arith.cmpi ne, %convert_element_type3A, %cond3A : i32
    scf.if %cond3A_14 {
      %swap3A = arith.index_cast %mul3A_8 : i32 to index
      %swap3A_40 = arith.constant 0 : index
      %swap3A_41 = vector.load %arg4[%swap3A, %swap3A_40] : memref<1024x1xf32, #tpu.memory_space<vmem>>, vector<512x1xf32>
      tpu.vector_store %arg4[%swap3A, %swap3A_40], %broadcast_in_dim3A {strides = array<i32>} : memref<1024x1xf32, #tpu.memory_space<vmem>>, vector<512x1xf32>,
    } else {
    }
    %ge3A = arith.constant 2 : i32
    %ge3A_15 = arith.cmpi sge, %arg0, %ge3A : i32
    %convert_element_type3A_16 = arith.extui %ge3A_15 : i1 to i32
    %cond3A_17 = arith.constant 0 : i32
    %cond3A_18 = arith.cmpi ne, %convert_element_type3A_16, %cond3A_17 : i32
    scf.if %cond3A_18 {
      %get3A_40 = arith.index_cast %mul3A_8 : i32 to index
      %get3A_41 = arith.constant 0 : index
      %get3A_42 = vector.load %arg4[%get3A_40, %get3A_41] : memref<1024x1xf32, #tpu.memory_space<vmem>>, vector<512x1xf32>
      %add3A_43 = arith.addf %get3A_42, %broadcast_in_dim3A : vector<512x1xf32>
      %swap3A = arith.index_cast %mul3A_8 : i32 to index
      %swap3A_44 = arith.constant 0 : index
      %swap3A_45 = vector.load %arg4[%swap3A, %swap3A_44] : memref<1024x1xf32, #tpu.memory_space<vmem>>, vector<512x1xf32>
      tpu.vector_store %arg4[%swap3A, %swap3A_44], %add3A_43 {strides = array<i32>} : memref<1024x1xf32, #tpu.memory_space<vmem>>, vector<512x1xf32>,
    } else {
    }
    %get3A_19 = arith.constant 0 : index
    %get3A_20 = arith.constant 0 : index
    %get3A_21 = vector.load %arg2[%get3A_19, %get3A_20] : memref<512x1024xf32, #tpu.memory_space<vmem>>, vector<512x1024xf32>
    %abs3A_22 = math.absf %get3A_21 : vector<512x1024xf32>
    %reduce_sum3A_23 = arith.constant dense<0.000000e+00> : vector<1024xf32>
    %reduce_sum3A_24 = vector.multi_reduction <add>, %abs3A_22, %reduce_sum3A_23 [0] : vector<512x1024xf32> to vector<1024xf32>
    %broadcast_in_dim3A_25 = vector.shape_cast %reduce_sum3A_24 : vector<1024xf32> to vector<1x1024xf32>
    %eq3A_26 = arith.constant 0 : i32
    %eq3A_27 = arith.cmpi eq, %arg0, %eq3A_26 : i32
    %convert_element_type3A_28 = arith.extui %eq3A_27 : i1 to i32
    %cond3A_29 = arith.constant 0 : i32
    %cond3A_30 = arith.cmpi ne, %convert_element_type3A_28, %cond3A_29 : i32
    scf.if %cond3A_30 {
      %swap3A = arith.constant 0 : index
      %swap3A_40 = arith.constant 0 : index
      %swap3A_41 = vector.load %arg5[%swap3A, %swap3A_40] : memref<1x1024xf32, #tpu.memory_space<vmem>>, vector<1x1024xf32>
      tpu.vector_store %arg5[%swap3A, %swap3A_40], %broadcast_in_dim3A_25 {strides = array<i32>} : memref<1x1024xf32, #tpu.memory_space<vmem>>, vector<1x1024xf32>,
    } else {
    }
    %gt3A = arith.constant 0 : i32
    %gt3A_31 = arith.cmpi sgt, %arg0, %gt3A : i32
    %convert_element_type3A_32 = arith.extui %gt3A_31 : i1 to i32
    %cond3A_33 = arith.constant 0 : i32
    %cond3A_34 = arith.cmpi ne, %convert_element_type3A_32, %cond3A_33 : i32
    scf.if %cond3A_34 {
      %get3A_40 = arith.constant 0 : index
      %get3A_41 = arith.constant 0 : index
      %get3A_42 = vector.load %arg5[%get3A_40, %get3A_41] : memref<1x1024xf32, #tpu.memory_space<vmem>>, vector<1x1024xf32>
      %add3A_43 = arith.addf %get3A_42, %broadcast_in_dim3A_25 : vector<1x1024xf32>
      %swap3A = arith.constant 0 : index
      %swap3A_44 = arith.constant 0 : index
      %swap3A_45 = vector.load %arg5[%swap3A, %swap3A_44] : memref<1x1024xf32, #tpu.memory_space<vmem>>, vector<1x1024xf32>
      tpu.vector_store %arg5[%swap3A, %swap3A_44], %add3A_43 {strides = array<i32>} : memref<1x1024xf32, #tpu.memory_space<vmem>>, vector<1x1024xf32>,
    } else {
    }
    %eq3A_35 = arith.constant 17 : i32
    %eq3A_36 = arith.cmpi eq, %arg0, %eq3A_35 : i32
    %convert_element_type3A_37 = arith.extui %eq3A_36 : i1 to i32
    %cond3A_38 = arith.constant 0 : i32
    %cond3A_39 = arith.cmpi ne, %convert_element_type3A_37, %cond3A_38 : i32
    scf.if %cond3A_39 {
      %iota3A = tpu.iota {dimensions = array<i32: 0>} : vector<1024x1024xi32>
      %iota3A_40 = tpu.iota {dimensions = array<i32: 1>} : vector<1024x1024xi32>
      %eq3A_41 = arith.cmpi eq, %iota3A, %iota3A_40 : vector<1024x1024xi32>
      %convert_element_type3A_42 = arith.extui %eq3A_41 : vector<1024x1024xi1> to vector<1024x1024xi32>
      %convert_element_type3A_43 = arith.sitofp %convert_element_type3A_42 : vector<1024x1024xi32> to vector<1024x1024xf32>
      %get3A_44 = arith.constant 0 : index
      %get3A_45 = arith.constant 0 : index
      %get3A_46 = vector.load %arg4[%get3A_44, %get3A_45] : memref<1024x1xf32, #tpu.memory_space<vmem>>, vector<1024x1xf32>
      %dot_general3A = arith.constant dense<0.000000e+00> : vector<1x1024xf32>
      %dot_general3A_47 = tpu.matmul %get3A_46, %convert_element_type3A_43, %dot_general3A {dimension_numbers = #tpu.dot_dimension_numbers<[0], [0], [1], [1], [0, 1, 1, 1], [], []>, precision = #tpu.contract_precision<fp32>, transpose_lhs_hint = false} : vector<1024x1xf32>, vector<1024x1024xf32>, vector<1x1024xf32> -> vector<1x1024xf32>
      %get3A_48 = arith.constant 0 : index
      %get3A_49 = arith.constant 0 : index
      %get3A_50 = vector.load %arg5[%get3A_48, %get3A_49] : memref<1x1024xf32, #tpu.memory_space<vmem>>, vector<1x1024xf32>
      %add3A_51 = arith.addf %dot_general3A_47, %get3A_50 : vector<1x1024xf32>
      %swap3A = arith.constant 0 : index
      %swap3A_52 = arith.constant 0 : index
      %swap3A_53 = vector.load %arg3[%swap3A, %swap3A_52] : memref<1x1024xf32, #tpu.memory_space<vmem>>, vector<1x1024xf32>
      tpu.vector_store %arg3[%swap3A, %swap3A_52], %add3A_51 {strides = array<i32>} : memref<1x1024xf32, #tpu.memory_space<vmem>>, vector<1x1024xf32>,
    } else {
    }
    return
  }
  func.func @transform_0(%arg0: i32) -> (i32, i32) {
    %c0_i32 = arith.constant 0 : i32
    %c0_i32_0 = arith.constant 0 : i32
    return %arg0, %c0_i32 : i32, i32
  }
  func.func @transform_1(%arg0: i32) -> (i32, i32) {
    %c0_i32 = arith.constant 0 : i32
    %c0_i32_0 = arith.constant 0 : i32
    return %arg0, %c0_i32 : i32, i32
  }
  func.func @transform_2(%arg0: i32) -> (i32, i32) {
    %c0_i32 = arith.constant 0 : i32
    %c0_i32_0 = arith.constant 0 : i32
    %c0_i32_1 = arith.constant 0 : i32
    return %c0_i32, %c0_i32_0 : i32, i32
  }
}

</mosaic_0001>

<sc_bundles>
// kernel: _run.4.cloned.1.call-start
scs
__scs_entry_jumppad:
0x0: {  	(pc) =	sbr.rel $0x88, $3  }
0x1: {  	(tag) =	ssettag $0x0;
	lr =	simm.s32 $0x1  }
0x2: {  	[smem:$0x3F9F] =	sst lr;
	_ =	strace $0xD0000000  }
0x3: {  	_ = 	snop  }
0x4: {  	_ = 	snop  }
0x5: {  	_ = 	snop  }
0x6: {  	_ = 	snop  }
0x7: {  	_ = 	snop  }
__scs_overlays_trampoline_lowered:
0x8: {  	[smem:$0x3FAE] =	sst s0  }
0x9: {  	[smem:$0x3FAF] =	sst s1  }
0xa: {  	[smem:$0x3FB0] =	sst s2  }
0xb: {  	[smem:$0x3FB1] =	sst s3  }
0xc: {  	[smem:$0x3FB2] =	sst s4  }
0xd: {  	[smem:$0x3FB3] =	sst s5  }
0xe: {  	[smem:$0x3FB4] =	sst s6  }
0xf: {  	[smem:$0x3FB5] =	sst s7  }
0x10: {  	[smem:$0x3FB6] =	sst s8  }
0x11: {  	[smem:$0x3FB7] =	sst s9;
	s0 =	simm.s32 @!p0 $0x0  }
0x12: {  	s1 =	sld [smem:$0x3F9D];
	s0 =	simm.s32 @p0 $0x1  }
0x13: {  	[smem:$0x3FB8] =	sst s0;
	s0 =	simm.s32 @!p1 $0x0  }
0x14: {  	s2 =	sld [smem:$0x3F9C];
	s0 =	simm.s32 @p1 $0x1  }
0x15: {  	[smem:$0x3FB9] =	sst s0;
	s0 =	simm.s32 @!p2 $0x0  }
0x16: {  	s3 =	sld [smem:$0x3FDB];
	s0 =	simm.s32 @p2 $0x1  }
0x17: {  	s4 =	simm.s32 $0x1BF5;
	[smem:$0x3FBB] =	sst s0  }
0x18: {  	s0 =	sld [smem:$0x3F9E];
	_ =	swait.ge [sflag:s4], $0x0  }
0x19: {  	s7 =	sld [smem:$0x3F9F]  }
0x1a: {  	s8 =	sadd.s32 $0xFFFFE003, lr  }
0x1b: {  	s9 =	sadd.s32 $0xFFFFFEF7, lr;
	s5 =	simm.s32 $0xFFFFFFFF;
	p2 =	slt.u32 s8, $0xFFFFF086  }
0x1c: {  	p1 =	slt.u32 s9, $0xF7A;
	s5 =	simm.s32 @!p2 $0x0  }
0x1d: {  	s5 =	simm.s32 @p1 $0x1;
	p0 =	seq.s32 s7, s2  }
0x1e: {  	s7 =	smul.u32 @!p0 $0xF7A, s2;
	p2 =	seq.s32 @!p0 s5, $0x0  }
0x1f: {  	s9 =	smul.u32 $0xF7A, s1;
	s8 =	simm.s32 @!p0 $0x1BF5;
	p2 =	por !p2, p0  }
0x20: {  	[sflag:s8] =	ssyncset.s32 @!p0 $0xFFFFF086;
	s6 =	sadd.s32 @!p0 s3, s7;
	s7 =	simm.s32 @!p0 $0x108  }
0x21: {  	s3 =	sadd.s32 s3, s9;
	s6 =	sadd.s32 @!p0 $0x88, s6;
	s7 =	simm.s32 @p2 $0x1082  }
0x22: {  	[simem:s7], [sflag:s8] =	dma.local @!p0 [hbm:s6], $0xF7A  }
0x23: {  	s9 =	sor.u32 $0xD0000000, s2;
	s6 =	simm.s32 $0x108;
	_ =	swait.ge @!p0 [sflag:s8], $0x0  }
0x24: {  	s3 =	sadd.s32 $0x88, s3;
	s6 =	simm.s32 @!p1 $0x1082;
	[sflag:s4] =	ssyncset.s32 $0xFFFFF086  }
0x25: {  	[simem:s6], [sflag:s4] =	dma.local [hbm:s3], $0xF7A  }
0x26: {  	[smem:$0x3F9F] =	sst s1;
	(tag) =	ssettag s2;
	_ =	strace s9  }
0x27: {  	s1 =	sld [smem:$0x3FAF]  }
0x28: {  	s2 =	sld [smem:$0x3FB0]  }
0x29: {  	s4 =	sld [smem:$0x3FB2]  }
0x2a: {  	p0 =	seq.s32 s5, $0x0;
	s5 =	sld [smem:$0x3FB3]  }
0x2b: {  	s6 =	sld [smem:$0x3FB4]  }
0x2c: {  	s7 =	sld [smem:$0x3FB5]  }
0x2d: {  	s3 =	simm.s32 $0x108;
	s8 =	sld [smem:$0x3FB6]  }
0x2e: {  	s3 =	simm.s32 @!p0 $0x1082;
	s9 =	sld [smem:$0x3FB7]  }
0x2f: {  	lr =	sadd.s32 s0, s3;
	s0 =	sld [smem:$0x3FAE]  }
0x30: {  	s3 =	sld [smem:$0x3FB1]  }
0x31: {  	[smem:$0x3FBA] =	sst s10  }
0x32: {  	s10 =	sld [smem:$0x3FB8];
	_ =	sdelay $0x3  }
0x33: {  	p0 =	seq.s32 s10, $0x1;
	s10 =	sld [smem:$0x3FBA];
	_ =	sdelay $0x3  }
0x34: {  	[smem:$0x3FBA] =	sst s10  }
0x35: {  	s10 =	sld [smem:$0x3FB9];
	_ =	sdelay $0x3  }
0x36: {  	p1 =	seq.s32 s10, $0x1;
	s10 =	sld [smem:$0x3FBA];
	_ =	sdelay $0x3  }
0x37: {  	[smem:$0x3FBA] =	sst s10  }
0x38: {  	s10 =	sld [smem:$0x3FBB]  }
0x39: {  	_ = 	snop;
	(pc) =	sbr.ind lr, $3  }
0x3a: {  	_ = 	snop  }
0x3b: {  	_ = 	snop  }
0x3c: {  	p2 =	seq.s32 s10, $0x1;
	s10 =	sld [smem:$0x3FBA]  }
0x3d: {  	_ =	shalt  }
0x3e: {  	_ =	shalt  }
0x3f: {  	_ =	shalt  }
0x40: {  	_ =	shalt  }
0x41: {  	_ =	shalt  }
0x42: {  	_ =	shalt  }
0x43: {  	_ =	shalt  }
0x44: {  	_ =	shalt  }
0x45: {  	_ =	shalt  }
0x46: {  	_ =	shalt  }
0x47: {  	_ =	shalt  }
0x48: {  	_ =	shalt  }
0x49: {  	_ =	shalt  }
0x4a: {  	_ =	shalt  }
0x4b: {  	_ =	shalt  }
0x4c: {  	_ =	shalt  }
0x4d: {  	_ =	shalt  }
0x4e: {  	_ =	shalt  }
0x4f: {  	_ =	shalt  }
0x50: {  	_ =	shalt  }
0x51: {  	_ =	shalt  }
0x52: {  	_ =	shalt  }
0x53: {  	_ =	shalt  }
0x54: {  	_ =	shalt  }
0x55: {  	_ =	shalt  }
0x56: {  	_ =	shalt  }
0x57: {  	_ =	shalt  }
0x58: {  	_ =	shalt  }
0x59: {  	_ =	shalt  }
0x5a: {  	_ =	shalt  }
0x5b: {  	_ =	shalt  }
0x5c: {  	_ =	shalt  }
0x5d: {  	_ =	shalt  }
0x5e: {  	_ =	shalt  }
0x5f: {  	_ =	shalt  }
0x60: {  	_ =	shalt  }
0x61: {  	_ =	shalt  }
0x62: {  	_ =	shalt  }
0x63: {  	_ =	shalt  }
0x64: {  	_ =	shalt  }
0x65: {  	_ =	shalt  }
0x66: {  	_ =	shalt  }
0x67: {  	_ =	shalt  }
0x68: {  	_ =	shalt  }
0x69: {  	_ =	shalt  }
0x6a: {  	_ =	shalt  }
0x6b: {  	_ =	shalt  }
0x6c: {  	_ =	shalt  }
0x6d: {  	_ =	shalt  }
0x6e: {  	_ =	shalt  }
0x6f: {  	_ =	shalt  }
0x70: {  	_ =	shalt  }
0x71: {  	_ =	shalt  }
0x72: {  	_ =	shalt  }
0x73: {  	_ =	shalt  }
0x74: {  	_ =	shalt  }
0x75: {  	_ =	shalt  }
0x76: {  	_ =	shalt  }
0x77: {  	_ =	shalt  }
0x78: {  	_ =	shalt  }
0x79: {  	_ =	shalt  }
0x7a: {  	_ =	shalt  }
0x7b: {  	_ =	shalt  }
0x7c: {  	_ =	shalt  }
0x7d: {  	_ =	shalt  }
0x7e: {  	_ =	shalt  }
0x7f: {  	_ =	shalt  }
0x80: {  	_ =	shalt  }
0x81: {  	_ =	shalt  }
0x82: {  	_ =	shalt  }
0x83: {  	_ =	shalt  }
0x84: {  	_ =	shalt  }
0x85: {  	_ =	shalt  }
0x86: {  	_ =	shalt  }
0x87: {  	_ =	shalt  }
.Lfunc_end0:
.L_simem_size_0:
called_computation_lowered:
.L_overlay_start_0:
0x88: {  	s0 =	sld [smem:$0x3FD9]  }
0x89: {  	s1 =	sld [smem:$0x3FFE];
	_ =	sdelay $0x3  }
0x8a: {  	s0 =	sadd.s32 s1, s0  }
0x8b: {  	[smem:$0x3FC6] =	sst s0  }
0x8c: {  	_ = 	snop  }
0x8d: {  	s0 =	sld [smem:$0x3FD0];
	(tm) =	ssettm $0x1  }
0x8e: {  	s16 =	sld [smem:$0x3FFB];
	_ =	sdelay $0x3  }
0x8f: {  	_ =	strace s16  }
0x90: {  	s1 =	sld [smem:$0x3FFC];
	_ =	sdelay $0x3  }
0x91: {  	_ =	strace s1  }
0x92: {  	s1 =	sld [smem:$0x3FFD];
	_ =	sdelay $0x3  }
0x93: {  	_ =	strace s1  }
0x94: {  	_ =	strace $0x8FFFFFFF  }
0x95: {  	s17 =	sld [smem:$0x3FDB];
	_ =	sdelay $0x1  }
0x96: {  	s2 =	simm.s32 $_scs_section_size  }
0x97: {  	s3 =	simm.s32 $_size__tile_overlayer_lowered;
	s4 =	simm.s32 $_tile_overlayer_lowered  }
0x98: {  	s20 =	simm.s32 $0x1BFF;
	s19 =	sshll.u32 s4, $0x1;
	s1 =	sadd.s32 s2, s17  }
0x99: {  	s5 =	simm.s32 $0x0;
	s18 =	sshll.u32 s3, $0x1;
	s3 =	sadd.s32 s19, s1  }
0x9a: {  	[timem:s5], [sflag:s20] =	dma.local [hbm:s3], s18  }
0x9b: {  	_ =	swait.ge [sflag:s20], s18  }
0x9c: {  	s2 =	ssub.s32 $0x0, s18;
	[sflag:s20] =	ssyncset.done $0x0  }
0x9d: {  	[sflag:s20] =	ssyncadd.s32 s2;
	_ =	sdelay $0x1  }
0x9e: {  	s21 =	simm.s32 $0x1B8B  }
0x9f: {  	_ =	swait.ge [sflag:s21], $0x1  }
0xa0: {  	[sflag:s21] =	ssyncset.done $0x0  }
0xa1: {  	s23 =	simm.s32 $0x1B8E;
	s22 =	sld [smem:$0x3FFE];
	[sflag:s21] =	ssyncadd.s32 $0xFFFFFFFF  }
0xa2: {  	s24 =	simm.s32 $execute0_lowered;
	[smem:$0x3FD2] =	sst s23  }
0xa3: {  	s3 =	sshll.u32 s24, $0x1;
	_ =	strace $0x80000046;
	[dreg:$0x1] =	wrdreg $0xFFFFFFFF  }
0xa4: {  	s25 =	simm.s32 $_size_execute0_lowered;
	s1 =	sadd.s32 s1, s3;
	[dreg:$0x0] =	wrdreg $0x0  }
0xa5: {  	s3 =	sshll.u32 s25, $0x1;
	[dreg:$0x2] =	wrdreg s1  }
0xa6: {  	[dreg:$0x3] =	wrdreg s3  }
0xa7: {  	[dreg:$0x4] =	wrdreg $0xC0  }
0xa8: {  	_ =	task [dreg:s5], $0x5FFFF  }
0xa9: {  	[dreg:$0x1] =	wrdreg $0xFFFFFFFF  }
0xaa: {  	[dreg:$0x0] =	wrdreg $0x60  }
0xab: {  	[dreg:$0x2] =	wrdreg s22  }
0xac: {  	[dreg:$0x3] =	wrdreg s0  }
0xad: {  	[dreg:$0x4] =	wrdreg $0xCA80  }
0xae: {  	[dreg:$0x5] =	wrdreg $0xC800  }
0xaf: {  	[dreg:$0x6] =	wrdreg $0x9  }
0xb0: {  	_ =	task.clear_ibuf [dreg:s5], $0x7FFFF;
	_ =	strace $0x90000046  }
0xb1: {  	s26 =	simm.s32 $0x9;
	_ =	strace $0x80000048  }
0xb2: {  	_ =	swait.ge [sflag:s26], $0x1  }
0xb3: {  	[sflag:s26] =	ssyncadd.s32 $0xFFFFFFFF  }
0xb4: {  	_ =	strace $0x90000048  }
0xb5: {  	_ =	sfence  }
0xb6: {  	s28 =	sld [smem:$0x0];
	_ =	sdelay $0x1  }
0xb7: {  	s29 =	srdreg.scid  }
0xb8: {  	s30 =	sshll.u32 s29, $0xD;
	s31 =	sshrl.u32 s29, $0x2  }
0xb9: {  	s2 =	sand.u32 $0x4000, s30;
	s1 =	sand.u32 $0x1, s29;
	s0 =	sadd.s32 s31, s28  }
0xba: {  	s1 =	sor.u32 s2, s1;
	s0 =	sshll.u32 s0, $0x11  }
0xbb: {  	s0 =	sor.u32 s0, s1  }
0xbc: {  	s0 =	sadd.s32 $0x8F2B, s0  }
0xbd: {  	[sflag:s0] =	ssyncadd.remote.s32 $0x1  }
0xbe: {  	_ =	sfence.sel $0xFFFF  }
0xbf: {  	[dreg:$0x0] =	wrdreg $0xFFFFFFFF;
	(pc) =	sbr.abs _section_cstart, $3  }
0xc0: {  	[dreg:$0x1] =	wrdreg $0xFFFFFFFF  }
0xc1: {  	_ =	task.clear_ibuf [dreg:s5], $0x2FFFF;
	_ =	strace $0x9FFFFFFF  }
0xc2: {  	(tm) =	ssettm $0x7FFFFFFF  }
0xc3: {  	_ =	shalt  }
tec
execute0_lowered:
.L_overlay_start_1:
0x0: {  	(tag) =	ssettag $0x1  }
0x1: {  	s0 =	rddreg [dreg:$0x0];
	_ =	strace $0x80000047  }
0x2: {  	s1 =	simm.s32 $0x0;
	s2 =	simm.s32 $0x1;
	s0 =	sadd.s32 $0x600, s0  }
0x3: {  	[tilespmem:s1], [sflag:$0x1] =	stream.linear.gather [hbm4b:s0+s1], $0x400, $0x38;
	[tilespmem:$0xCB8] =	vst v63  }
0x4: {  	_ =	swait.ge [sflag:s2], $0x400  }
0x5: {  	[sflag:s2] =	ssyncset.done $0x0  }
0x6: {  	s3 =	simm.s32 $0x400;
	[sflag:s2] =	ssyncadd.s32 $0xFFFFFC00  }
0x7: {  	[tilespmem:s3], [sflag:$0x1] =	stream.linear.gather [hbm4b:s0+s1], $0x400, $0x38;
	[tilespmem:$0xCB8] =	vst v63  }
0x8: {  	_ =	swait.ge [sflag:s2], $0x400  }
0x9: {  	s28 =	stileid.u32;
	[sflag:s2] =	ssyncset.done $0x0  }
0xa: {  	s26 =	sshll.u32 s28, $0x6;
	[sflag:s2] =	ssyncadd.s32 $0xFFFFFC00  }
0xb: {  	v4 =	vld [tilespmem:s26+$0x0]  }
0xc: {  	v5 =	vld [tilespmem:s26+$0x10]  }
0xd: {  	v6 =	vld [tilespmem:s26+$0x20]  }
0xe: {  	s0 =	sor.u32 $0x42F, s26;
	v7 =	vld [tilespmem:s26+$0x30]  }
0xf: {  	v9 =	vld [tilespmem:s0+$0x0]  }
0x10: {  	v10 =	vld [tilespmem:s0+$0xFFFFFFE0]  }
0x11: {  	v0 =	vlaneseq.u32;
	v8 =	vimm.s32 $0x0;
	s29 =	sor.u32 $0x10, s26;
	v11 =	vld [tilespmem:s0+$0xFFFFFFF0]  }
0x12: {  	v13 =	vimm.s32 $0x0;
	s30 =	sor.u32 $0x20, s26;
	s31 =	sor.u32 $0x30, s26;
	v3 =	vor.u32 s26, v0;
	v1 =	vor.u32 s29, v0;
	v12 =	vld [tilespmem:s0+$0xFFFFFFD0]  }
0x13: {  	v2 =	vor.u32 s30, v0;
	v0 =	vor.u32 s31, v0;
	vm0 =	vge.u32 v3, s2  }
0x14: {  	vm1 =	vge.u32 v1, s2;
	vm2 =	vge.u32 v2, s2;
	vm4 =	vge.u32 v0, s2  }
0x15: {  	vm3 =	veq.f32 v9, v7;
	vm5 =	veq.f32 v10, v5;
	vm6 =	vlt.f32 v9, v7  }
0x16: {  	vm3 =	vmand vm4, vm3;
	vm1 =	vmand vm1, vm5;
	vm4 =	veq.f32 v11, v6  }
0x17: {  	vm5 =	veq.f32 v12, v4;
	vm3 =	vmor vm6, vm3;
	vm2 =	vmand vm2, vm4  }
0x18: {  	vm0 =	vmand vm0, vm5;
	vm4 =	vlt.f32 v10, v5;
	v9 =	vsel vm3, $0x1, v8  }
0x19: {  	s1 =	sadd.s32 $0xFFFFFFFF, s0;
	vm3 =	vlt.f32 v12, v4;
	v12 =	vimm.s32 $0x0;
	v9 =	vadd.s32 v9, v8  }
0x1a: {  	s2 =	simm.s32 $0x3;
	s0 =	simm.s32 $0x2;
	v10 =	vld [tilespmem:s1+$0x0];
	vm0 =	vmor vm3, vm0;
	vm3 =	vlt.f32 v11, v6;
	v11 =	vimm.s32 $0x0  }
.LBB2_1:
0x1b: {  	p0 =	sne.s32 s2, $0x3FF;
	v14 =	vld [tilespmem:s1+$0xFFFFFFE0];
	v15 =	vsel vm0, $0x1, v8;
	vm0 =	vmor vm4, vm1;
	vm1 =	vmor vm3, vm2  }
0x1c: {  	v16 =	vld [tilespmem:s1+$0xFFFFFFF0];
	v13 =	vadd.s32 v15, v13;
	v15 =	vsel vm0, $0x1, v8;
	v17 =	vsel vm1, $0x1, v8  }
0x1d: {  	v18 =	vld [tilespmem:s1+$0xFFFFFFD0];
	v12 =	vadd.s32 v15, v12;
	v11 =	vadd.s32 v17, v11  }
0x1e: {  	vm0 =	vge.u32 v3, s0;
	vm1 =	vge.u32 v1, s0  }
0x1f: {  	vm2 =	vge.u32 v2, s0;
	vm4 =	vge.u32 v0, s0;
	s0 =	smov.u32 s2;
	vm3 =	veq.f32 v10, v7  }
.Ltmp0:
0x20: {  	vm6 =	vlt.f32 v10, v7;
	vm5 =	veq.f32 v14, v5;
	vm3 =	vmand vm4, vm3;
	(pc) =	sbr.rel @p0 .LBB2_1-.Ltmp0, $4  }
0x21: {  	vm1 =	vmand vm1, vm5;
	vm4 =	veq.f32 v16, v6;
	vm3 =	vmor vm6, vm3  }
0x22: {  	vm5 =	veq.f32 v18, v4;
	vm2 =	vmand vm2, vm4;
	v10 =	vsel vm3, $0x1, v8  }
0x23: {  	s1 =	sadd.s32 $0xFFFFFFFF, s1;
	vm3 =	vlt.f32 v18, v4;
	vm0 =	vmand vm0, vm5;
	v9 =	vadd.s32 v10, v9  }
0x24: {  	s2 =	sadd.s32 $0x1, s2;
	vm4 =	vlt.f32 v14, v5;
	v10 =	vld [tilespmem:s1+$0x0];
	vm0 =	vmor vm3, vm0;
	vm3 =	vlt.f32 v16, v6  }
0x25: {  	v14 =	vld [tilespmem:s1+$0xFFFFFFD0];
	_ =	sdelay $0x4  }
0x26: {  	vm5 =	vge.u32 v3, s0;
	vm6 =	veq.f32 v14, v4  }
0x27: {  	vm7 =	vlt.f32 v14, v4;
	vm5 =	vmand vm5, vm6  }
0x28: {  	v29 =	vsel vm0, $0x1, v8;
	vm8 =	vmor vm7, vm5  }
0x29: {  	v4 =	vadd.s32 v29, v13;
	v30 =	vsel vm8, $0x1, v8  }
0x2a: {  	v4 =	vadd.s32 v30, v4  }
0x2b: {  	v31 =	vimm.f32 $0.0e+00;
	vm0 =	vlt.s32 v4, $0x200  }
0x2c: {  	v4 =	vsel vm0, $0x3F800000, v31  }
0x2d: {  	(v2sf) =	vpush v4, $0x0  }
0x2e: {  	(v2sf) =	vpush v4, $0x1  }
0x2f: {  	(v2sf) =	vpush v4, $0x2  }
0x30: {  	(v2sf) =	vpush v4, $0x3  }
0x31: {  	v32 =	vld [tilespmem:s1+$0xFFFFFFE0];
	(v2sf) =	vpush v4, $0x4  }
0x32: {  	(v2sf) =	vpush v4, $0x5  }
0x33: {  	(v2sf) =	vpush v4, $0x6  }
0x34: {  	(v2sf) =	vpush v4, $0x7  }
0x35: {  	vm1 =	vmor vm4, vm1;
	(v2sf) =	vpush v4, $0x8  }
0x36: {  	vm9 =	vge.u32 v1, s0;
	vm10 =	veq.f32 v32, v5;
	(v2sf) =	vpush v4, $0x9  }
0x37: {  	vm11 =	vlt.f32 v32, v5;
	vm4 =	vmand vm9, vm10;
	(v2sf) =	vpush v4, $0xA  }
0x38: {  	v33 =	vsel vm1, $0x1, v8;
	vm12 =	vmor vm11, vm4;
	(v2sf) =	vpush v4, $0xB  }
0x39: {  	v5 =	vadd.s32 v33, v12;
	v34 =	vsel vm12, $0x1, v8;
	(v2sf) =	vpush v4, $0xC  }
0x3a: {  	v5 =	vadd.s32 v34, v5;
	(v2sf) =	vpush v4, $0xD  }
0x3b: {  	vm1 =	vlt.s32 v5, $0x200;
	(v2sf) =	vpush v4, $0xE  }
0x3c: {  	v5 =	vsel vm1, $0x3F800000, v31;
	s5 =	spop (v2sf);
	(v2sf) =	vpush v4, $0xF  }
0x3d: {  	s2 =	spop (v2sf);
	(v2sf) =	vpush v5, $0x0  }
0x3e: {  	s30 =	spop (v2sf);
	(v2sf) =	vpush v5, $0x1  }
0x3f: {  	s3 =	spop (v2sf);
	(v2sf) =	vpush v5, $0x2  }
0x40: {  	s4 =	spop (v2sf);
	(v2sf) =	vpush v5, $0x3  }
0x41: {  	v35 =	vld [tilespmem:s1+$0xFFFFFFF0];
	s6 =	spop (v2sf);
	(v2sf) =	vpush v5, $0x4  }
0x42: {  	s7 =	spop (v2sf);
	(v2sf) =	vpush v5, $0x5  }
0x43: {  	s8 =	spop (v2sf);
	(v2sf) =	vpush v5, $0x6  }
0x44: {  	s9 =	spop (v2sf);
	(v2sf) =	vpush v5, $0x7  }
0x45: {  	vm2 =	vmor vm3, vm2;
	s10 =	spop (v2sf);
	(v2sf) =	vpush v5, $0x8  }
0x46: {  	vm13 =	vge.u32 v2, s0;
	vm14 =	veq.f32 v35, v6;
	s11 =	spop (v2sf);
	(v2sf) =	vpush v5, $0x9  }
0x47: {  	vm15 =	vlt.f32 v35, v6;
	vm3 =	vmand vm13, vm14;
	s12 =	spop (v2sf);
	(v2sf) =	vpush v5, $0xA  }
0x48: {  	v36 =	vsel vm2, $0x1, v8;
	vm8 =	vmor vm15, vm3;
	s13 =	spop (v2sf);
	(v2sf) =	vpush v5, $0xB  }
0x49: {  	v6 =	vadd.s32 v36, v11;
	v37 =	vsel vm8, $0x1, v8;
	s14 =	spop (v2sf);
	(v2sf) =	vpush v5, $0xC  }
0x4a: {  	v6 =	vadd.s32 v37, v6;
	s15 =	spop (v2sf);
	(v2sf) =	vpush v5, $0xD  }
0x4b: {  	vm2 =	vlt.s32 v6, $0x200;
	s16 =	spop (v2sf);
	(v2sf) =	vpush v5, $0xE  }
0x4c: {  	v6 =	vsel vm2, $0x3F800000, v31;
	s1 =	spop (v2sf);
	(v2sf) =	vpush v5, $0xF  }
0x4d: {  	[smem:$0x7ED] =	sst s11;
	s11 =	spop (v2sf);
	(v2sf) =	vpush v6, $0x0  }
0x4e: {  	s23 =	spop (v2sf);
	(v2sf) =	vpush v6, $0x1  }
0x4f: {  	[smem:$0x7F0] =	sst s14;
	(v2sf) =	vpush v6, $0x2;
	s14 =	spop (v2sf)  }
0x50: {  	(v2sf) =	vpush v6, $0x3;
	s22 =	spop (v2sf)  }
0x51: {  	[smem:$0x7EC] =	sst s10;
	(v2sf) =	vpush v6, $0x4;
	s10 =	spop (v2sf)  }
0x52: {  	(v2sf) =	vpush v6, $0x5;
	s18 =	spop (v2sf)  }
0x53: {  	(v2sf) =	vpush v6, $0x6;
	s20 =	spop (v2sf)  }
0x54: {  	[smem:$0x7E8] =	sst s6;
	(v2sf) =	vpush v6, $0x7;
	s6 =	spop (v2sf)  }
0x55: {  	(v2sf) =	vpush v6, $0x8;
	s21 =	spop (v2sf)  }
0x56: {  	[smem:$0x7EB] =	sst s9;
	(v2sf) =	vpush v6, $0x9;
	s9 =	spop (v2sf)  }
0x57: {  	[smem:$0x7EE] =	sst s12;
	(v2sf) =	vpush v6, $0xA;
	s12 =	spop (v2sf)  }
0x58: {  	[smem:$0x7EF] =	sst s13;
	(v2sf) =	vpush v6, $0xB;
	s13 =	spop (v2sf)  }
0x59: {  	[smem:$0x7F1] =	sst s15;
	(v2sf) =	vpush v6, $0xC;
	s15 =	spop (v2sf)  }
0x5a: {  	[smem:$0x7F2] =	sst s16;
	(v2sf) =	vpush v6, $0xD;
	s16 =	spop (v2sf)  }
0x5b: {  	vm9 =	vge.u32 v0, s0;
	vm10 =	veq.f32 v10, v7;
	[smem:$0x7EA] =	sst s8;
	s8 =	spop (v2sf)  }
0x5c: {  	vm11 =	vlt.f32 v10, v7;
	vm3 =	vmand vm9, vm10;
	s17 =	spop (v2sf)  }
0x5d: {  	vm3 =	vmor vm11, vm3;
	s0 =	spop (v2sf)  }
0x5e: {  	v38 =	vsel vm3, $0x1, v8;
	[smem:$0x7E6] =	sst s3;
	s3 =	spop (v2sf)  }
0x5f: {  	v7 =	vadd.s32 v38, v9;
	[smem:$0x7E7] =	sst s4;
	(v2sf) =	vpush v6, $0xE;
	s4 =	spop (v2sf)  }
0x60: {  	vm3 =	vlt.s32 v7, $0x200;
	[smem:$0x7E9] =	sst s7;
	s7 =	spop (v2sf)  }
0x61: {  	v7 =	vsel vm3, $0x3F800000, v31;
	(v2sf) =	vpush v6, $0xF;
	s19 =	spop (v2sf)  }
0x62: {  	(v2sf) =	vpush v7, $0x0;
	s31 =	spop (v2sf)  }
0x63: {  	(v2sf) =	vpush v7, $0x1;
	s29 =	spop (v2sf)  }
0x64: {  	s24 =	spop (v2sf)  }
0x65: {  	s25 =	spop (v2sf)  }
0x66: {  	[smem:$0x7E5] =	sst s2;
	s28 =	spop (v2sf)  }
0x67: {  	s1 =	sadd.f32 s11, s1;
	s2 =	spop (v2sf)  }
0x68: {  	[smem:$0x7F3] =	sst s2;
	s2 =	spop (v2sf)  }
0x69: {  	[smem:$0x7F4] =	sst s2;
	s2 =	spop (v2sf)  }
0x6a: {  	[smem:$0x7F5] =	sst s2  }
0x6b: {  	s2 =	sld [smem:$0x7E5]  }
0x6c: {  	[dreg:$0x1d] =	wrdreg s1  }
0x6d: {  	s23 =	sadd.f32 s1, s23  }
0x6e: {  	s2 =	sadd.f32 s2, s5;
	s5 =	spop (v2sf)  }
0x6f: {  	[smem:$0x7F6] =	sst s5  }
0x70: {  	s11 =	spop (v2sf);
	s5 =	sadd.f32 s0, s17  }
0x71: {  	[smem:$0x7F7] =	sst s2;
	s17 =	spop (v2sf)  }
0x72: {  	s30 =	sadd.f32 s2, s30;
	s2 =	spop (v2sf)  }
0x73: {  	s2 =	sadd.f32 s2, s17  }
0x74: {  	s17 =	sld [smem:$0x7E6]  }
0x75: {  	[dreg:$0x1a] =	wrdreg s23  }
0x76: {  	[smem:$0x7F8] =	sst s30  }
0x77: {  	s17 =	sadd.f32 s30, s17  }
0x78: {  	s30 =	sld [smem:$0x7E7]  }
0x79: {  	[smem:$0x7FC] =	sst s5  }
0x7a: {  	[smem:$0x7FD] =	sst s2  }
0x7b: {  	s1 =	sadd.f32 s17, s30  }
0x7c: {  	s30 =	sadd.f32 s23, s14  }
0x7d: {  	s14 =	sld [smem:$0x7E8]  }
0x7e: {  	[smem:$0x7F9] =	sst s1  }
0x7f: {  	[dreg:$0x19] =	wrdreg s30  }
0x80: {  	s30 =	sadd.f32 s30, s22  }
0x81: {  	s22 =	sld [smem:$0x7E9]  }
0x82: {  	s23 =	sadd.f32 s1, s14  }
0x83: {  	s14 =	sld [smem:$0x7F2]  }
0x84: {  	[dreg:$0x13] =	wrdreg s30  }
0x85: {  	s10 =	sadd.f32 s30, s10  }
0x86: {  	[smem:$0x7FA] =	sst s23  }
0x87: {  	s1 =	sadd.f32 s23, s22  }
0x88: {  	s23 =	sld [smem:$0x7EA]  }
0x89: {  	[dreg:$0x12] =	wrdreg s10  }
0x8a: {  	s30 =	sadd.f32 s10, s18  }
0x8b: {  	s10 =	sld [smem:$0x7EB]  }
0x8c: {  	s18 =	sld [smem:$0x7EC]  }
0x8d: {  	[smem:$0x7FB] =	sst s1  }
0x8e: {  	s0 =	sadd.f32 s1, s23  }
0x8f: {  	[dreg:$0x11] =	wrdreg s30  }
0x90: {  	s23 =	sld [smem:$0x7EE]  }
0x91: {  	[dreg:$0x1e] =	wrdreg s0  }
0x92: {  	s0 =	sadd.f32 s0, s10  }
0x93: {  	s10 =	sadd.f32 s30, s20  }
0x94: {  	s20 =	sld [smem:$0x7ED]  }
0x95: {  	s30 =	sld [smem:$0x7EF]  }
0x96: {  	[dreg:$0x16] =	wrdreg s0  }
0x97: {  	[dreg:$0xe] =	wrdreg s10  }
0x98: {  	s0 =	sadd.f32 s0, s18  }
0x99: {  	s6 =	sadd.f32 s10, s6  }
0x9a: {  	s18 =	sadd.f32 s5, s3  }
0x9b: {  	s5 =	sld [smem:$0x7F4]  }
0x9c: {  	[dreg:$0x14] =	wrdreg s0  }
0x9d: {  	[dreg:$0xf] =	wrdreg s6  }
0x9e: {  	s22 =	sadd.f32 s0, s20  }
0x9f: {  	s6 =	sadd.f32 s6, s21  }
0xa0: {  	[dreg:$0x10] =	wrdreg s22  }
0xa1: {  	[dreg:$0xc] =	wrdreg s6  }
0xa2: {  	(v2sf) =	vpush v7, $0x2;
	s10 =	sadd.f32 s22, s23  }
0xa3: {  	s6 =	sadd.f32 s6, s9  }
0xa4: {  	[dreg:$0xd] =	wrdreg s10  }
0xa5: {  	[dreg:$0x9] =	wrdreg s6  }
0xa6: {  	s0 =	sadd.f32 s10, s30  }
0xa7: {  	s1 =	sadd.f32 s6, s12  }
0xa8: {  	s6 =	sld [smem:$0x7F0]  }
0xa9: {  	s12 =	sld [smem:$0x7F1]  }
0xaa: {  	(v2sf) =	vpush v7, $0x3;
	[dreg:$0xb] =	wrdreg s0  }
0xab: {  	[dreg:$0xa] =	wrdreg s1  }
0xac: {  	s10 =	sadd.f32 s1, s13  }
0xad: {  	s9 =	sadd.f32 s0, s6  }
0xae: {  	(v2sf) =	vpush v7, $0x4;
	[dreg:$0x7] =	wrdreg s10  }
0xaf: {  	s13 =	sadd.f32 s10, s15  }
0xb0: {  	[dreg:$0x6] =	wrdreg s9  }
0xb1: {  	(v2sf) =	vpush v7, $0x5;
	s15 =	spop (v2sf);
	s0 =	sadd.f32 s9, s12  }
0xb2: {  	s1 =	sadd.f32 s2, s15  }
0xb3: {  	[dreg:$0x8] =	wrdreg s13  }
0xb4: {  	(v2sf) =	vpush v7, $0x6;
	s6 =	sadd.f32 s13, s16  }
0xb5: {  	[dreg:$0x17] =	wrdreg s0  }
0xb6: {  	(v2sf) =	vpush v7, $0x7;
	s20 =	sadd.f32 s0, s14  }
0xb7: {  	[dreg:$0x5] =	wrdreg s6  }
0xb8: {  	(v2sf) =	vpush v7, $0x8;
	s22 =	sadd.f32 s6, s8  }
0xb9: {  	s16 =	spop (v2sf);
	s6 =	sadd.f32 s18, s4  }
0xba: {  	(v2sf) =	vpush v7, $0x9;
	s2 =	sadd.f32 s1, s16  }
0xbb: {  	s9 =	sadd.f32 s6, s7  }
0xbc: {  	(v2sf) =	vpush v7, $0xA;
	s4 =	sld [smem:$0x7F6]  }
0xbd: {  	s15 =	sadd.f32 s9, s19;
	s19 =	spop (v2sf)  }
0xbe: {  	(v2sf) =	vpush v7, $0xB;
	s10 =	sadd.f32 s2, s19  }
0xbf: {  	s13 =	sadd.f32 s15, s31  }
0xc0: {  	s21 =	spop (v2sf);
	s31 =	sld [smem:$0x7F3]  }
0xc1: {  	(v2sf) =	vpush v7, $0xC;
	s16 =	sadd.f32 s10, s21  }
0xc2: {  	s21 =	sld [smem:$0x7F5]  }
0xc3: {  	s23 =	spop (v2sf);
	s19 =	sadd.f32 s13, s29  }
0xc4: {  	(v2sf) =	vpush v7, $0xD;
	s12 =	sadd.f32 s16, s23  }
0xc5: {  	s23 =	sadd.f32 s19, s24;
	s24 =	spop (v2sf)  }
0xc6: {  	s8 =	sadd.f32 s12, s24  }
0xc7: {  	s29 =	spop (v2sf);
	s24 =	sadd.f32 s23, s25  }
0xc8: {  	(v2sf) =	vpush v7, $0xE;
	s3 =	sadd.f32 s8, s29  }
0xc9: {  	s30 =	spop (v2sf);
	s29 =	sadd.f32 s24, s28  }
0xca: {  	(v2sf) =	vpush v7, $0xF;
	s14 =	sadd.f32 s3, s30  }
0xcb: {  	s0 =	spop (v2sf);
	s28 =	sadd.f32 s29, s31  }
0xcc: {  	s30 =	sadd.f32 s14, s0  }
0xcd: {  	s7 =	spop (v2sf);
	s0 =	sadd.f32 s28, s5  }
0xce: {  	s25 =	sadd.f32 s30, s7  }
0xcf: {  	[dreg:$0x1c] =	wrdreg s0  }
0xd0: {  	s31 =	sadd.f32 s0, s21;
	s0 =	spop (v2sf)  }
0xd1: {  	s21 =	sadd.f32 s25, s0  }
0xd2: {  	[dreg:$0x1b] =	wrdreg s31  }
0xd3: {  	s5 =	spop (v2sf);
	s0 =	sadd.f32 s31, s4  }
0xd4: {  	s7 =	sadd.f32 s21, s5  }
0xd5: {  	s5 =	sadd.f32 s22, s20  }
0xd6: {  	[dreg:$0x18] =	wrdreg s0  }
0xd7: {  	s31 =	spop (v2sf);
	s0 =	sadd.f32 s0, s11  }
0xd8: {  	s11 =	sadd.f32 s7, s31  }
0xd9: {  	[dreg:$0x1f] =	wrdreg s7;
	s7 =	spop (v2sf)  }
0xda: {  	s4 =	sadd.f32 s11, s7  }
0xdb: {  	s7 =	sadd.f32 s0, s5;
	_ =	sdelay $0x1  }
0xdc: {  	s4 =	sadd.f32 s4, s7  }
0xdd: {  	s31 =	smov.u32 s20;
	s20 =	rddreg [dreg:$0x2]  }
0xde: {  	[dreg:$0x15] =	wrdreg s0;
	s7 =	sshrl.u32 s26, $0x2;
	v39 =	vmov s4  }
0xdf: {  	s5 =	simm.s32 $0x1;
	s26 =	simm.s32 $0x800;
	s4 =	sadd.s32 s7, s20;
	[tilespmem:$0x800] =	vst v39  }
0xe0: {  	[spmem:s4] =	stream.linear.scatter [tilespmem:s26], [sflag:$0x1], $0x10, $0x38;
	[tilespmem:$0xCB8] =	vst v63  }
0xe1: {  	_ =	swait.ge [sflag:s5], $0x10  }
0xe2: {  	[sflag:s5] =	ssyncset.done $0x0  }
0xe3: {  	[sflag:s5] =	ssyncadd.s32 $0xFFFFFFF0  }
0xe4: {  	s0 =	simm.s32 $0x880;
	[bflag:$0x0] =	sbarrier.arrive $0xFFFF  }
0xe5: {  	[tilespmem:s0], [sflag:$0x1] =	stream.linear.gather [spmem:s20], $0x100, $0x38;
	[tilespmem:$0xCB8] =	vst v63  }
0xe6: {  	_ =	swait.ge [sflag:s5], $0x100  }
0xe7: {  	[sflag:s5] =	ssyncset.done $0x0  }
0xe8: {  	v55 =	vlaneseq.u32;
	v4 =	vbroadcast v4, $0x0;
	s26 =	sld [smem:$0x7F7];
	[sflag:s5] =	ssyncadd.s32 $0xFFFFFF00  }
0xe9: {  	vm8 =	veq.s32 v55, $0x0;
	v40 =	vld [tilespmem:$0x880]  }
0xea: {  	vm9 =	veq.s32 v55, $0x2;
	v4 =	vsel vm8, $0x0, v4  }
0xeb: {  	v41 =	vld [tilespmem:$0x890];
	v4 =	vsel vm9, s26, v4;
	s26 =	sld [smem:$0x7F8];
	_ =	sdelay $0x1  }
0xec: {  	vm10 =	veq.s32 v55, $0x3;
	v42 =	vld [tilespmem:$0x8A0]  }
0xed: {  	vm6 =	veq.s32 v55, $0x4;
	v4 =	vsel vm10, s26, v4;
	s26 =	sld [smem:$0x7F9];
	(v2sf) =	vpush v40, $0x0  }
0xee: {  	v43 =	vld [tilespmem:$0x8B0];
	v4 =	vsel vm6, s17, v4;
	s17 =	sld [smem:$0x7FA]  }
0xef: {  	vm7 =	veq.s32 v55, $0x5;
	v5 =	vbroadcast v5, $0x0;
	(v2sf) =	vpush v41, $0x0  }
0xf0: {  	vm12 =	veq.s32 v55, $0x6;
	v44 =	vld [tilespmem:$0x8C0];
	v4 =	vsel vm7, s26, v4;
	s26 =	sld [smem:$0x7FB]  }
0xf1: {  	v5 =	vsel vm8, $0x0, v5;
	(v2sf) =	vpush v42, $0x0;
	v4 =	vsel vm12, s17, v4;
	s17 =	rddreg [dreg:$0x1d]  }
0xf2: {  	vm13 =	veq.s32 v55, $0x7;
	v7 =	vbroadcast v7, $0x0;
	v45 =	vld [tilespmem:$0x8D0];
	v5 =	vsel vm9, s17, v5;
	s17 =	sld [smem:$0x7FD]  }
0xf3: {  	v6 =	vbroadcast v6, $0x0;
	(v2sf) =	vpush v43, $0x0;
	v4 =	vsel vm13, s26, v4;
	s26 =	sld [smem:$0x7FC]  }
0xf4: {  	v7 =	vsel vm8, $0x0, v7;
	v46 =	vld [tilespmem:$0x8E0]  }
0xf5: {  	v6 =	vsel vm8, $0x0, v6;
	(v2sf) =	vpush v44, $0x0;
	v7 =	vsel vm9, s17, v7;
	s17 =	rddreg [dreg:$0x1a]  }
0xf6: {  	v47 =	vld [tilespmem:$0x8F0];
	v6 =	vsel vm9, s26, v6;
	s26 =	rddreg [dreg:$0x1e]  }
0xf7: {  	vm14 =	veq.s32 v55, $0x8;
	(v2sf) =	vpush v45, $0x0;
	v5 =	vsel vm10, s17, v5;
	s17 =	rddreg [dreg:$0x11]  }
0xf8: {  	v48 =	vld [tilespmem:$0x900];
	v4 =	vsel vm14, s26, v4;
	s26 =	rddreg [dreg:$0x19]  }
0xf9: {  	(v2sf) =	vpush v46, $0x0;
	v7 =	vsel vm10, s1, v7;
	v6 =	vsel vm10, s18, v6;
	s18 =	rddreg [dreg:$0x10]  }
0xfa: {  	v49 =	vld [tilespmem:$0x910];
	v7 =	vsel vm6, s2, v7;
	v6 =	vsel vm6, s6, v6;
	s6 =	rddreg [dreg:$0x16]  }
0xfb: {  	(v2sf) =	vpush v47, $0x0;
	v7 =	vsel vm7, s10, v7;
	s10 =	rddreg [dreg:$0x12]  }
0xfc: {  	v50 =	vld [tilespmem:$0x920];
	v5 =	vsel vm6, s26, v5;
	s26 =	rddreg [dreg:$0xe];
	s20 =	spop (v2sf)  }
0xfd: {  	(v2sf) =	vpush v48, $0x0;
	s4 =	sadd.f32 $0.0e+00, s20;
	s20 =	stileid.u32  }
0xfe: {  	v51 =	vld [tilespmem:$0x930];
	s7 =	spop (v2sf);
	p0 =	seq.s32 s20, $0x0;
	p1 =	sgt.u32 s20, $0x1  }
0xff: {  	v6 =	vsel vm7, s9, v6;
	s9 =	rddreg [dreg:$0x14];
	(v2sf) =	vpush v49, $0x0;
	s4 =	simm.s32 @p0 $0x0;
	s7 =	simm.s32 @!p1 $0x0  }
0x100: {  	vm15 =	veq.s32 v55, $0x9;
	v52 =	vld [tilespmem:$0x940];
	p0 =	sgt.u32 s20, $0x2;
	s4 =	sadd.f32 s7, s4;
	s7 =	spop (v2sf)  }
0x101: {  	v4 =	vsel vm15, s6, v4;
	s6 =	rddreg [dreg:$0xd];
	(v2sf) =	vpush v50, $0x0;
	s7 =	simm.s32 @!p0 $0x0  }
0x102: {  	v53 =	vld [tilespmem:$0x950];
	vm10 =	veq.s32 v55, $0xA;
	p0 =	sgt.u32 s20, $0x3;
	s4 =	sadd.f32 s7, s4;
	s7 =	spop (v2sf)  }
0x103: {  	v4 =	vsel vm10, s9, v4;
	s9 =	rddreg [dreg:$0x9];
	(v2sf) =	vpush v51, $0x0;
	s7 =	simm.s32 @!p0 $0x0  }
0x104: {  	v54 =	vld [tilespmem:$0x960];
	v7 =	vsel vm12, s16, v7;
	p0 =	sgt.u32 s20, $0x4;
	s4 =	sadd.f32 s7, s4;
	s7 =	spop (v2sf)  }
0x105: {  	v7 =	vsel vm13, s12, v7;
	s12 =	rddreg [dreg:$0x6];
	(v2sf) =	vpush v52, $0x0;
	s7 =	simm.s32 @!p0 $0x0  }
0x106: {  	p0 =	sgt.u32 s20, $0x5;
	s4 =	sadd.f32 s7, s4;
	s7 =	spop (v2sf)  }
0x107: {  	v6 =	vsel vm12, s15, v6;
	s15 =	rddreg [dreg:$0x1c];
	(v2sf) =	vpush v53, $0x0;
	s7 =	simm.s32 @!p0 $0x0  }
0x108: {  	p0 =	sgt.u32 s20, $0x6;
	s4 =	sadd.f32 s7, s4;
	s7 =	spop (v2sf)  }
0x109: {  	v7 =	vsel vm14, s8, v7;
	s8 =	rddreg [dreg:$0xb];
	(v2sf) =	vpush v54, $0x0;
	s7 =	simm.s32 @!p0 $0x0  }
0x10a: {  	p0 =	sgt.u32 s20, $0x7;
	s4 =	sadd.f32 s7, s4;
	s7 =	spop (v2sf)  }
0x10b: {  	v6 =	vsel vm13, s13, v6;
	s13 =	rddreg [dreg:$0x7];
	s7 =	simm.s32 @!p0 $0x0  }
0x10c: {  	vm11 =	veq.s32 v55, $0xB;
	p0 =	sgt.u32 s20, $0x8;
	s0 =	sadd.f32 s7, s4;
	s4 =	spop (v2sf)  }
0x10d: {  	v4 =	vsel vm11, s18, v4;
	s18 =	rddreg [dreg:$0x1f];
	s4 =	simm.s32 @!p0 $0x0  }
0x10e: {  	p0 =	sgt.u32 s20, $0x9;
	s0 =	sadd.f32 s4, s0;
	s4 =	spop (v2sf)  }
0x10f: {  	v6 =	vsel vm14, s19, v6;
	s19 =	rddreg [dreg:$0x17];
	s4 =	simm.s32 @!p0 $0x0  }
0x110: {  	v7 =	vsel vm15, s3, v7;
	p0 =	sgt.u32 s20, $0xA;
	s0 =	sadd.f32 s4, s0;
	s4 =	spop (v2sf)  }
0x111: {  	v7 =	vsel vm10, s14, v7;
	s14 =	rddreg [dreg:$0x8];
	s4 =	simm.s32 @!p0 $0x0  }
0x112: {  	p0 =	sgt.u32 s20, $0xB;
	s1 =	spop (v2sf);
	s0 =	sadd.f32 s4, s0  }
0x113: {  	v56 =	vcvt.s32.f32 v3;
	v6 =	vsel vm15, s23, v6;
	s23 =	rddreg [dreg:$0x5];
	s1 =	simm.s32 @!p0 $0x0  }
0x114: {  	v57 =	vcvt.s32.f32 v1;
	v58 =	vcvt.s32.f32 v2;
	p0 =	sgt.u32 s20, $0xC;
	s0 =	sadd.f32 s1, s0;
	s1 =	spop (v2sf)  }
0x115: {  	v61 =	vcvt.s32.f32 v0;
	v3 =	vmul.f32 $1.955034210e-03, v56;
	s7 =	rddreg [dreg:$0x13];
	s1 =	simm.s32 @!p0 $0x0  }
0x116: {  	v1 =	vmul.f32 $1.955034210e-03, v57;
	v2 =	vmul.f32 $1.955034210e-03, v58;
	p0 =	sgt.u32 s20, $0xD;
	s0 =	sadd.f32 s1, s0;
	s1 =	spop (v2sf)  }
0x117: {  	v3 =	vadd.f32 $-1.000000000e+00, v3;
	v0 =	vmul.f32 $1.955034210e-03, v61;
	v5 =	vsel vm7, s7, v5;
	s7 =	rddreg [dreg:$0xc];
	s1 =	simm.s32 @!p0 $0x0  }
0x118: {  	v1 =	vadd.f32 $-1.000000000e+00, v1;
	v2 =	vadd.f32 $-1.000000000e+00, v2;
	v5 =	vsel vm12, s10, v5;
	p0 =	seq.s32 s20, $0xF;
	s0 =	sadd.f32 s1, s0;
	s1 =	spop (v2sf)  }
0x119: {  	v0 =	vadd.f32 $-1.000000000e+00, v0;
	v6 =	vsel vm10, s24, v6;
	v5 =	vsel vm13, s17, v5;
	s4 =	rddreg [dreg:$0xf];
	s1 =	simm.s32 @!p0 $0x0  }
0x11a: {  	v7 =	vsel vm11, s30, v7;
	vm12 =	veq.s32 v55, $0xC;
	v5 =	vsel vm14, s26, v5;
	s0 =	sadd.f32 s1, s0  }
0x11b: {  	v6 =	vsel vm11, s29, v6;
	s10 =	rddreg [dreg:$0xa];
	v4 =	vsel vm12, s6, v4;
	v5 =	vsel vm15, s4, v5  }
0x11c: {  	vm13 =	veq.s32 v55, $0xD;
	v6 =	vsel vm12, s28, v6;
	v5 =	vsel vm10, s7, v5;
	s0 =	sadd.f32 $0.0e+00, s0  }
0x11d: {  	v7 =	vsel vm12, s25, v7;
	s17 =	rddreg [dreg:$0x1b];
	v4 =	vsel vm13, s8, v4;
	v5 =	vsel vm11, s9, v5  }
0x11e: {  	vm14 =	veq.s32 v55, $0xE;
	v6 =	vsel vm13, s15, v6;
	v5 =	vsel vm12, s10, v5;
	s16 =	sadd.f32 s0, s31  }
0x11f: {  	s28 =	rddreg [dreg:$0x15];
	v4 =	vsel vm14, s12, v4;
	vm15 =	veq.s32 v55, $0xF;
	v5 =	vsel vm13, s13, v5  }
0x120: {  	v7 =	vsel vm13, s21, v7;
	s21 =	sor.u32 $0x200, s20;
	v4 =	vsel vm15, s19, v4;
	v5 =	vsel vm14, s14, v5;
	s25 =	sadd.f32 s16, s22  }
0x121: {  	s26 =	rddreg [dreg:$0x18];
	v6 =	vsel vm14, s17, v6;
	s24 =	scvt.s32.f32 s21;
	v5 =	vsel vm15, s23, v5;
	v4 =	vadd.f32 s0, v4  }
0x122: {  	v7 =	vsel vm14, s18, v7;
	v6 =	vsel vm15, s26, v6;
	v5 =	vadd.f32 s16, v5;
	s1 =	sadd.f32 s25, s28  }
0x123: {  	[tilespmem:$0xA00] =	vst v3;
	v7 =	vsel vm15, s11, v7;
	v4 =	vnsel vm0, s24, v4;
	v6 =	vadd.f32 s25, v6  }
0x124: {  	[tilespmem:$0xA10] =	vst v1;
	v4 =	vtrunc.f32 v4;
	v5 =	vnsel vm1, s24, v5;
	v60 =	vadd.f32 s1, v7  }
0x125: {  	[tilespmem:$0xA20] =	vst v2;
	v4 =	vcvt.f32.s32 v4;
	v5 =	vtrunc.f32 v5;
	v6 =	vnsel vm2, s24, v6  }
0x126: {  	[tilespmem:$0xA30] =	vst v0;
	v59 =	vcvt.f32.s32 v5;
	v62 =	vtrunc.f32 v6;
	v5 =	vnsel vm3, s24, v60  }
0x127: {  	[tilespmem:$0x980] =	vst v4;
	v3 =	vcvt.f32.s32 v62;
	v63 =	vtrunc.f32 v5  }
0x128: {  	[tilespmem:$0x990] =	vst v59;
	v1 =	vcvt.f32.s32 v63  }
0x129: {  	s3 =	rddreg [dreg:$0x3];
	[tilespmem:$0x9A0] =	vst v3  }
0x12a: {  	s30 =	simm.s32 $0x980;
	s29 =	simm.s32 $0x40;
	s31 =	simm.s32 $0xA00;
	[tilespmem:$0x9B0] =	vst v1  }
0x12b: {  	[spmem:s3] =	stream.indirect.scatter [tilespmem:s31], [sflag:$0x1], $0x1, s30, s29, $0xb8;
	[tilespmem:$0xCB8] =	vst v63  }
0x12c: {  	_ =	swait.ge [sflag:s5], $0x40  }
0x12d: {  	[sflag:s5] =	ssyncset.done $0x0  }
0x12e: {  	[sflag:s5] =	ssyncadd.s32 $0xFFFFFFC0  }
0x12f: {  	p0 =	sne.s32 s20, $0x0;
	[bflag:$0x0] =	sbarrier.arrive $0xFFFF  }
0x130: {  	_ =	sfence.sel @p0 $0x180000  }
0x131: {  	[bflag:$0x0] =	sbarrier.arrive @p0 $0xFFFF  }
0x132: {  	_ =	strace @p0 $0x90000047  }
0x133: {  	s0 =	simm.s32 @!p0 $0xA80;
	s1 =	simm.s32 @!p0 $0x1;
	[bflag:$0x2] =	sbarrier.arrive @p0 $0xFFFF  }
0x134: {  	[tilespmem:s0], [sflag:$0x1] =	stream.linear.gather @!p0 [spmem:s3], $0x200, $0x38;
	[tilespmem:$0xCB8] =	vst v63  }
0x135: {  	_ =	swait.ge @!p0 [sflag:s1], $0x200  }
0x136: {  	[sflag:s1] =	ssyncset.done @!p0 $0x0  }
0x137: {  	[sflag:s1] =	ssyncadd.s32 @!p0 $0xFFFFFE00  }
0x138: {  	s2 =	simm.s32 @!p0 $0x0;
	s3 =	rddreg [dreg:$0x1]  }
0x139: {  	[hbm4b:s3+s2] =	stream.linear.scatter @!p0 [tilespmem:s0], [sflag:$0x1], $0x200, $0x38;
	[tilespmem:$0xCB8] =	vst v63  }
0x13a: {  	_ =	swait.ge @!p0 [sflag:s1], $0x200  }
0x13b: {  	[sflag:s1] =	ssyncset.done @!p0 $0x0  }
0x13c: {  	[sflag:s1] =	ssyncadd.s32 @!p0 $0xFFFFFE00  }
0x13d: {  	_ =	sfence.sel @!p0 $0x180000  }
0x13e: {  	[bflag:$0x0] =	sbarrier.arrive @!p0 $0xFFFF  }
0x13f: {  	_ =	strace @!p0 $0x90000047  }
0x140: {  	[bflag:$0x2] =	sbarrier.arrive @!p0 $0xFFFF  }
0x141: {  	s0 =	rddreg [dreg:$0x4]  }
0x142: {  	s0 =	sadd.s32 @!p0 $0x100000, s0  }
0x143: {  	[sflag:s0] =	ssyncadd.tile.s32 @!p0 $0x1;
	_ =	shalt  }
.Lfunc_end2:
_tile_overlayer_lowered:
.L_overlay_start_2:
0x144: {  	(tag) =	ssettag $0x2  }
0x145: {  	s0 =	rddreg [dreg:$0x0];
	s2 =	stileid.u32  }
0x146: {  	s1 =	rddreg [dreg:$0x1];
	p0 =	sne.s32 s2, $0x0  }
0x147: {  	s3 =	rddreg [dreg:$0x2];
	[bflag:$0x3] =	sbarrier.arrive $0xFFFF;
	s2 =	simm.s32 @!p0 $0x1C01  }
0x148: {  	[timem:s3], [sflag:s2] =	dma.local @!p0 [hbm:s0], s1  }
0x149: {  	s0 =	simm.s32 @!p0 $0x1  }
0x14a: {  	_ =	swait.ge @!p0 [sflag:s0], s1  }
0x14b: {  	s1 =	ssub.s32 @!p0 $0x0, s1;
	[sflag:s0] =	ssyncset.done @!p0 $0x0  }
0x14c: {  	[sflag:s0] =	ssyncadd.s32 @!p0 s1  }
0x14d: {  	[bflag:$0x3] =	sbarrier.arrive $0xFFFF  }
0x14e: {  	_ =	shalt  }

</sc_bundles>
